<compile_context>
chip_gen: v7x
topology: tpu7x:2x2x1
jax: 0.10.2.dev20260603
libtpu: 0.0.44.dev20260713+nightly
codegen_flags: <defaults>
</compile_context>

<pallas_src>
import functools

import jax
import jax.numpy as jnp
from jax import lax
from jax.experimental import pallas as pl
from jax.experimental.pallas import tpu as pltpu
from jax.experimental.pallas import tpu_sc as plsc

N_V = 100000
N_D = 32
BATCH = 16384
HIST = 50

NC = 2
NS = 16
NW = NC * NS

B = BATCH * HIST
B_PER_W = B // NW
CHUNK = 800
N_CHUNKS = B_PER_W // CHUNK
NSLOT = 4

_mesh = plsc.VectorSubcoreMesh(core_axis_name="c", subcore_axis_name="s")


@functools.partial(
    pl.kernel,
    out_type=jax.ShapeDtypeStruct((B, N_D), jnp.float32),
    mesh=_mesh,
    scratch_types=(
        [pltpu.VMEM((CHUNK,), jnp.int32) for _ in range(NSLOT)]
        + [pltpu.VMEM((CHUNK, N_D), jnp.float32) for _ in range(NSLOT)]
        + [pltpu.SemaphoreType.DMA for _ in range(3 * NSLOT)]
    ),
    compiler_params=pltpu.CompilerParams(use_tc_tiling_on_sc=False),
)
def _gather_kernel(idx_hbm, table_hbm, out_hbm, *scratch):
    idx_bufs = scratch[0:NSLOT]
    row_bufs = scratch[NSLOT:2 * NSLOT]
    sem_idx = scratch[2 * NSLOT:3 * NSLOT]
    sem_g = scratch[3 * NSLOT:4 * NSLOT]
    sem_out = scratch[4 * NSLOT:5 * NSLOT]

    wid = lax.axis_index("s") * NC + lax.axis_index("c")
    base = wid * B_PER_W

    def idx_load(i, s):
        pltpu.async_copy(idx_hbm.at[pl.ds(base + i * CHUNK, CHUNK)],
                         idx_bufs[s], sem_idx[s])

    def idx_wait(s):
        pltpu.make_async_copy(idx_hbm.at[pl.ds(0, CHUNK)],
                              idx_bufs[s], sem_idx[s]).wait()

    def gather_start(s):
        pltpu.async_copy(table_hbm.at[idx_bufs[s]], row_bufs[s], sem_g[s])

    def gather_wait(s):
        pltpu.make_async_copy(table_hbm.at[idx_bufs[s]],
                              row_bufs[s], sem_g[s]).wait()

    def store_start(i, s):
        pltpu.async_copy(row_bufs[s],
                         out_hbm.at[pl.ds(base + i * CHUNK, CHUNK)],
                         sem_out[s])

    def store_wait(s):
        pltpu.make_async_copy(row_bufs[s],
                              out_hbm.at[pl.ds(0, CHUNK)], sem_out[s]).wait()

    idx_load(0, 0)
    for i in range(3):
        idx_wait(i)
        gather_start(i)
        idx_load(i + 1, i + 1)
    idx_wait(3)
    gather_start(3)
    gather_wait(0)
    store_start(0, 0)
    idx_load(4, 0)

    @pl.loop(1, N_CHUNKS // NSLOT - 1)
    def _blk(o):
        for ph in range(NSLOT):
            i = o * NSLOT + ph
            s = ph
            sg = (ph + 1) % NSLOT
            idx_wait(s)
            store_wait(s)
            gather_start(s)
            gather_wait(sg)
            store_start(i - 3, sg)
            idx_load(i + 1, sg)

    n = N_CHUNKS
    for ph in range(NSLOT):
        i = n - NSLOT + ph
        s = ph
        sg = (ph + 1) % NSLOT
        idx_wait(s)
        store_wait(s)
        gather_start(s)
        gather_wait(sg)
        store_start(i - 3, sg)
        if ph < NSLOT - 1:
            idx_load(i + 1, sg)

    for s in range(1, NSLOT):
        gather_wait(s)
        store_start(n - NSLOT + s, s)
    for s in range(NSLOT):
        store_wait(s)


def kernel(input_, weight):
    idx = jnp.reshape(input_, (B,)).astype(jnp.int32)
    out = _gather_kernel(idx, weight)
    return jnp.reshape(out, (BATCH, HIST, N_D))

# --- scband reference (transcript-rebuilt; emitter-appended) ---
"""Pipeline reference for scband-embeddings-7937099563604 (READ-ONLY COPY).

The authoritative reference and input builder live on the scoring server;
editing this copy changes nothing except your own understanding.
"""

import jax, jax.numpy as jnp
import numpy as np

N_V = 100000
N_D = 32
BATCH = 16384
HIST = 50

def setup_inputs(seed: int = 0) -> dict:
    key = jax.random.key(seed)
    k_idx, k_w = jax.random.split(key)
    input_ = jax.random.randint(k_idx, (BATCH, HIST), 0, N_V, dtype=jnp.int64 if jax.config.jax_enable_x64 else jnp.int32)
    # Embedding table init: uniform(-scale, scale) with scale = sqrt(3/n_d), then row L2-normalized (normalize=True)
    scale = float(np.sqrt(3.0 / N_D))
    weight = jax.random.uniform(k_w, (N_V, N_D), minval=-scale, maxval=scale, dtype=jnp.float32)
    norms = jnp.linalg.norm(weight, ord=2, axis=1, keepdims=True)
    weight = weight / norms
    return {"input_": input_, "weight": weight}

def reference(input_, weight):
    # Embeddings.forward: self.embedding(input_) -> plain table gather
    return jnp.take(weight, input_, axis=0)

if __name__ == "__main__":
    import jax
    _d = setup_inputs()
    print(jax.jit(kernel)(*tuple(_d.values())))

</pallas_src>

<mosaic_0001>
#map = affine_map<(d0, d1) -> (0)>
#map1 = affine_map<(d0, d1) -> (0, 0)>
module attributes {stable_mosaic.version = 14 : i64} {
  func.func @_gather_kernel(%arg0: i32, %arg1: i32, %arg2: memref<819200xi32, #tpu.memory_space<hbm>>, %arg3: memref<100000x32xf32, #tpu.memory_space<hbm>>, %arg4: memref<819200x32xf32, #tpu.memory_space<hbm>>, %arg5: memref<800xi32, #tpu.memory_space<vmem>>, %arg6: memref<800xi32, #tpu.memory_space<vmem>>, %arg7: memref<800xi32, #tpu.memory_space<vmem>>, %arg8: memref<800xi32, #tpu.memory_space<vmem>>, %arg9: memref<800x32xf32, #tpu.memory_space<vmem>>, %arg10: memref<800x32xf32, #tpu.memory_space<vmem>>, %arg11: memref<800x32xf32, #tpu.memory_space<vmem>>, %arg12: memref<800x32xf32, #tpu.memory_space<vmem>>, %arg13: memref<!tpu.dma_semaphore, #tpu.memory_space<semaphore_mem>>, %arg14: memref<!tpu.dma_semaphore, #tpu.memory_space<semaphore_mem>>, %arg15: memref<!tpu.dma_semaphore, #tpu.memory_space<semaphore_mem>>, %arg16: memref<!tpu.dma_semaphore, #tpu.memory_space<semaphore_mem>>, %arg17: memref<!tpu.dma_semaphore, #tpu.memory_space<semaphore_mem>>, %arg18: memref<!tpu.dma_semaphore, #tpu.memory_space<semaphore_mem>>, %arg19: memref<!tpu.dma_semaphore, #tpu.memory_space<semaphore_mem>>, %arg20: memref<!tpu.dma_semaphore, #tpu.memory_space<semaphore_mem>>, %arg21: memref<!tpu.dma_semaphore, #tpu.memory_space<semaphore_mem>>, %arg22: memref<!tpu.dma_semaphore, #tpu.memory_space<semaphore_mem>>, %arg23: memref<!tpu.dma_semaphore, #tpu.memory_space<semaphore_mem>>, %arg24: memref<!tpu.dma_semaphore, #tpu.memory_space<semaphore_mem>>) attributes {dimension_semantics = [#tpu.dimension_semantics<core_parallel>, #tpu.dimension_semantics<subcore_parallel>], iteration_bounds = array<i64: 2, 16>, scalar_prefetch = 0 : i64, scratch_operands = 20 : i64, tpu.core_type = #tpu.core_type<sc_vector_subcore>, window_params = [{transform_indices = #map}, {transform_indices = #map1}, {transform_indices = #map1}]} {
    %mul3A = arith.constant 2 : i32
    %mul3A_0 = arith.muli %arg1, %mul3A : i32
    %add3A = arith.addi %mul3A_0, %arg0 : i32
    %mul3A_1 = arith.constant 25600 : i32
    %mul3A_2 = arith.muli %add3A, %mul3A_1 : i32
    %add3A_3 = arith.constant 0 : i32
    %add3A_4 = arith.addi %mul3A_2, %add3A_3 : i32
    %dma_start3A = tpu.memref_slice %arg2[%add3A_4] : memref<819200xi32, #tpu.memory_space<hbm>> -> memref<800xi32, #tpu.memory_space<hbm>>
    %dma_start3A_5 = tpu.memref_slice %arg2[%add3A_4] : memref<819200xi32, #tpu.memory_space<hbm>> -> memref<800xi32, #tpu.memory_space<hbm>>
    tpu.enqueue_dma source(%dma_start3A_5 : memref<800xi32, #tpu.memory_space<hbm>>) target(%arg5 : memref<800xi32, #tpu.memory_space<vmem>>) target_semaphore(%arg13 : memref<!tpu.dma_semaphore, #tpu.memory_space<semaphore_mem>>)
    %dma_wait3A = arith.constant 0 : i32
    %dma_wait3A_6 = tpu.memref_slice %arg2[%dma_wait3A] : memref<819200xi32, #tpu.memory_space<hbm>> -> memref<800xi32, #tpu.memory_space<hbm>>
    %dma_wait3A_7 = arith.constant 0 : i32
    %dma_wait3A_8 = tpu.memref_slice %arg2[%dma_wait3A_7] : memref<819200xi32, #tpu.memory_space<hbm>> -> memref<800xi32, #tpu.memory_space<hbm>>
    tpu.wait_dma2 semaphore(%arg13 : memref<!tpu.dma_semaphore, #tpu.memory_space<semaphore_mem>>) src(%dma_wait3A_8 : memref<800xi32, #tpu.memory_space<hbm>>) dst(%arg5 : memref<800xi32, #tpu.memory_space<vmem>>)
    %dma_start3A_9 = arith.constant 0 : i32
    %dma_start3A_10 = arith.constant 0 : i32
    %dma_start3A_11 = tpu.memref_slice %arg3[%dma_start3A_9, %dma_start3A_10] : memref<100000x32xf32, #tpu.memory_space<hbm>> -> memref<100000x32xf32, #tpu.memory_space<hbm>>
    tpu.enqueue_indirect_dma source(%dma_start3A_11 : memref<100000x32xf32, #tpu.memory_space<hbm>>) target(%arg9 : memref<800x32xf32, #tpu.memory_space<vmem>>) offsets(%arg5 : memref<800xi32, #tpu.memory_space<vmem>>) semaphore(%arg17 : memref<!tpu.dma_semaphore, #tpu.memory_space<semaphore_mem>>)
    %add3A_12 = arith.constant 800 : i32
    %add3A_13 = arith.addi %mul3A_2, %add3A_12 : i32
    %dma_start3A_14 = tpu.memref_slice %arg2[%add3A_13] : memref<819200xi32, #tpu.memory_space<hbm>> -> memref<800xi32, #tpu.memory_space<hbm>>
    %dma_start3A_15 = tpu.memref_slice %arg2[%add3A_13] : memref<819200xi32, #tpu.memory_space<hbm>> -> memref<800xi32, #tpu.memory_space<hbm>>
    tpu.enqueue_dma source(%dma_start3A_15 : memref<800xi32, #tpu.memory_space<hbm>>) target(%arg6 : memref<800xi32, #tpu.memory_space<vmem>>) target_semaphore(%arg14 : memref<!tpu.dma_semaphore, #tpu.memory_space<semaphore_mem>>)
    %dma_wait3A_16 = arith.constant 0 : i32
    %dma_wait3A_17 = tpu.memref_slice %arg2[%dma_wait3A_16] : memref<819200xi32, #tpu.memory_space<hbm>> -> memref<800xi32, #tpu.memory_space<hbm>>
    %dma_wait3A_18 = arith.constant 0 : i32
    %dma_wait3A_19 = tpu.memref_slice %arg2[%dma_wait3A_18] : memref<819200xi32, #tpu.memory_space<hbm>> -> memref<800xi32, #tpu.memory_space<hbm>>
    tpu.wait_dma2 semaphore(%arg14 : memref<!tpu.dma_semaphore, #tpu.memory_space<semaphore_mem>>) src(%dma_wait3A_19 : memref<800xi32, #tpu.memory_space<hbm>>) dst(%arg6 : memref<800xi32, #tpu.memory_space<vmem>>)
    %dma_start3A_20 = arith.constant 0 : i32
    %dma_start3A_21 = arith.constant 0 : i32
    %dma_start3A_22 = tpu.memref_slice %arg3[%dma_start3A_20, %dma_start3A_21] : memref<100000x32xf32, #tpu.memory_space<hbm>> -> memref<100000x32xf32, #tpu.memory_space<hbm>>
    tpu.enqueue_indirect_dma source(%dma_start3A_22 : memref<100000x32xf32, #tpu.memory_space<hbm>>) target(%arg10 : memref<800x32xf32, #tpu.memory_space<vmem>>) offsets(%arg6 : memref<800xi32, #tpu.memory_space<vmem>>) semaphore(%arg18 : memref<!tpu.dma_semaphore, #tpu.memory_space<semaphore_mem>>)
    %add3A_23 = arith.constant 1600 : i32
    %add3A_24 = arith.addi %mul3A_2, %add3A_23 : i32
    %dma_start3A_25 = tpu.memref_slice %arg2[%add3A_24] : memref<819200xi32, #tpu.memory_space<hbm>> -> memref<800xi32, #tpu.memory_space<hbm>>
    %dma_start3A_26 = tpu.memref_slice %arg2[%add3A_24] : memref<819200xi32, #tpu.memory_space<hbm>> -> memref<800xi32, #tpu.memory_space<hbm>>
    tpu.enqueue_dma source(%dma_start3A_26 : memref<800xi32, #tpu.memory_space<hbm>>) target(%arg7 : memref<800xi32, #tpu.memory_space<vmem>>) target_semaphore(%arg15 : memref<!tpu.dma_semaphore, #tpu.memory_space<semaphore_mem>>)
    %dma_wait3A_27 = arith.constant 0 : i32
    %dma_wait3A_28 = tpu.memref_slice %arg2[%dma_wait3A_27] : memref<819200xi32, #tpu.memory_space<hbm>> -> memref<800xi32, #tpu.memory_space<hbm>>
    %dma_wait3A_29 = arith.constant 0 : i32
    %dma_wait3A_30 = tpu.memref_slice %arg2[%dma_wait3A_29] : memref<819200xi32, #tpu.memory_space<hbm>> -> memref<800xi32, #tpu.memory_space<hbm>>
    tpu.wait_dma2 semaphore(%arg15 : memref<!tpu.dma_semaphore, #tpu.memory_space<semaphore_mem>>) src(%dma_wait3A_30 : memref<800xi32, #tpu.memory_space<hbm>>) dst(%arg7 : memref<800xi32, #tpu.memory_space<vmem>>)
    %dma_start3A_31 = arith.constant 0 : i32
    %dma_start3A_32 = arith.constant 0 : i32
    %dma_start3A_33 = tpu.memref_slice %arg3[%dma_start3A_31, %dma_start3A_32] : memref<100000x32xf32, #tpu.memory_space<hbm>> -> memref<100000x32xf32, #tpu.memory_space<hbm>>
    tpu.enqueue_indirect_dma source(%dma_start3A_33 : memref<100000x32xf32, #tpu.memory_space<hbm>>) target(%arg11 : memref<800x32xf32, #tpu.memory_space<vmem>>) offsets(%arg7 : memref<800xi32, #tpu.memory_space<vmem>>) semaphore(%arg19 : memref<!tpu.dma_semaphore, #tpu.memory_space<semaphore_mem>>)
    %add3A_34 = arith.constant 2400 : i32
    %add3A_35 = arith.addi %mul3A_2, %add3A_34 : i32
    %dma_start3A_36 = tpu.memref_slice %arg2[%add3A_35] : memref<819200xi32, #tpu.memory_space<hbm>> -> memref<800xi32, #tpu.memory_space<hbm>>
    %dma_start3A_37 = tpu.memref_slice %arg2[%add3A_35] : memref<819200xi32, #tpu.memory_space<hbm>> -> memref<800xi32, #tpu.memory_space<hbm>>
    tpu.enqueue_dma source(%dma_start3A_37 : memref<800xi32, #tpu.memory_space<hbm>>) target(%arg8 : memref<800xi32, #tpu.memory_space<vmem>>) target_semaphore(%arg16 : memref<!tpu.dma_semaphore, #tpu.memory_space<semaphore_mem>>)
    %dma_wait3A_38 = arith.constant 0 : i32
    %dma_wait3A_39 = tpu.memref_slice %arg2[%dma_wait3A_38] : memref<819200xi32, #tpu.memory_space<hbm>> -> memref<800xi32, #tpu.memory_space<hbm>>
    %dma_wait3A_40 = arith.constant 0 : i32
    %dma_wait3A_41 = tpu.memref_slice %arg2[%dma_wait3A_40] : memref<819200xi32, #tpu.memory_space<hbm>> -> memref<800xi32, #tpu.memory_space<hbm>>
    tpu.wait_dma2 semaphore(%arg16 : memref<!tpu.dma_semaphore, #tpu.memory_space<semaphore_mem>>) src(%dma_wait3A_41 : memref<800xi32, #tpu.memory_space<hbm>>) dst(%arg8 : memref<800xi32, #tpu.memory_space<vmem>>)
    %dma_start3A_42 = arith.constant 0 : i32
    %dma_start3A_43 = arith.constant 0 : i32
    %dma_start3A_44 = tpu.memref_slice %arg3[%dma_start3A_42, %dma_start3A_43] : memref<100000x32xf32, #tpu.memory_space<hbm>> -> memref<100000x32xf32, #tpu.memory_space<hbm>>
    tpu.enqueue_indirect_dma source(%dma_start3A_44 : memref<100000x32xf32, #tpu.memory_space<hbm>>) target(%arg12 : memref<800x32xf32, #tpu.memory_space<vmem>>) offsets(%arg8 : memref<800xi32, #tpu.memory_space<vmem>>) semaphore(%arg20 : memref<!tpu.dma_semaphore, #tpu.memory_space<semaphore_mem>>)
    %dma_wait3A_45 = arith.constant 0 : i32
    %dma_wait3A_46 = arith.constant 0 : i32
    %dma_wait3A_47 = tpu.memref_slice %arg3[%dma_wait3A_45, %dma_wait3A_46] : memref<100000x32xf32, #tpu.memory_space<hbm>> -> memref<100000x32xf32, #tpu.memory_space<hbm>>
    tpu.wait_indirect_dma semaphore(%arg17 : memref<!tpu.dma_semaphore, #tpu.memory_space<semaphore_mem>>) src(%dma_wait3A_47 : memref<100000x32xf32, #tpu.memory_space<hbm>>) dst(%arg9 : memref<800x32xf32, #tpu.memory_space<vmem>>)
    %add3A_48 = arith.constant 0 : i32
    %add3A_49 = arith.addi %mul3A_2, %add3A_48 : i32
    %dma_start3A_50 = arith.constant 0 : i32
    %dma_start3A_51 = tpu.memref_slice %arg4[%add3A_49, %dma_start3A_50] : memref<819200x32xf32, #tpu.memory_space<hbm>> -> memref<800x32xf32, #tpu.memory_space<hbm>>
    %dma_start3A_52 = arith.constant 0 : i32
    %dma_start3A_53 = tpu.memref_slice %arg4[%add3A_49, %dma_start3A_52] : memref<819200x32xf32, #tpu.memory_space<hbm>> -> memref<800x32xf32, #tpu.memory_space<hbm>>
    tpu.enqueue_dma source(%arg9 : memref<800x32xf32, #tpu.memory_space<vmem>>) target(%dma_start3A_53 : memref<800x32xf32, #tpu.memory_space<hbm>>) target_semaphore(%arg21 : memref<!tpu.dma_semaphore, #tpu.memory_space<semaphore_mem>>)
    %add3A_54 = arith.constant 3200 : i32
    %add3A_55 = arith.addi %mul3A_2, %add3A_54 : i32
    %dma_start3A_56 = tpu.memref_slice %arg2[%add3A_55] : memref<819200xi32, #tpu.memory_space<hbm>> -> memref<800xi32, #tpu.memory_space<hbm>>
    %dma_start3A_57 = tpu.memref_slice %arg2[%add3A_55] : memref<819200xi32, #tpu.memory_space<hbm>> -> memref<800xi32, #tpu.memory_space<hbm>>
    tpu.enqueue_dma source(%dma_start3A_57 : memref<800xi32, #tpu.memory_space<hbm>>) target(%arg5 : memref<800xi32, #tpu.memory_space<vmem>>) target_semaphore(%arg13 : memref<!tpu.dma_semaphore, #tpu.memory_space<semaphore_mem>>)
    %scan3A = arith.constant 0 : i32
    %scan3A_58 = arith.constant 6 : i32
    %scan3A_59 = arith.addi %scan3A, %scan3A_58 : i32
    %scan3A_60 = arith.constant 1 : i32
    scf.for %scan3A_213 = %scan3A to %scan3A_59 step %scan3A_60  : i32 {
      %mul3A_214 = arith.constant 1 : i32
      %mul3A_215 = arith.muli %scan3A_213, %mul3A_214 : i32
      %add3A_216 = arith.constant 1 : i32
      %add3A_217 = arith.addi %add3A_216, %mul3A_215 : i32
      %mul3A_218 = arith.constant 4 : i32
      %mul3A_219 = arith.muli %add3A_217, %mul3A_218 : i32
      %add3A_220 = arith.constant 0 : i32
      %add3A_221 = arith.addi %mul3A_219, %add3A_220 : i32
      %dma_wait3A_222 = arith.constant 0 : i32
      %dma_wait3A_223 = tpu.memref_slice %arg2[%dma_wait3A_222] : memref<819200xi32, #tpu.memory_space<hbm>> -> memref<800xi32, #tpu.memory_space<hbm>>
      %dma_wait3A_224 = arith.constant 0 : i32
      %dma_wait3A_225 = tpu.memref_slice %arg2[%dma_wait3A_224] : memref<819200xi32, #tpu.memory_space<hbm>> -> memref<800xi32, #tpu.memory_space<hbm>>
      tpu.wait_dma2 semaphore(%arg13 : memref<!tpu.dma_semaphore, #tpu.memory_space<semaphore_mem>>) src(%dma_wait3A_225 : memref<800xi32, #tpu.memory_space<hbm>>) dst(%arg5 : memref<800xi32, #tpu.memory_space<vmem>>)
      %dma_wait3A_226 = arith.constant 0 : i32
      %dma_wait3A_227 = arith.constant 0 : i32
      %dma_wait3A_228 = tpu.memref_slice %arg4[%dma_wait3A_226, %dma_wait3A_227] : memref<819200x32xf32, #tpu.memory_space<hbm>> -> memref<800x32xf32, #tpu.memory_space<hbm>>
      %dma_wait3A_229 = arith.constant 0 : i32
      %dma_wait3A_230 = arith.constant 0 : i32
      %dma_wait3A_231 = tpu.memref_slice %arg4[%dma_wait3A_229, %dma_wait3A_230] : memref<819200x32xf32, #tpu.memory_space<hbm>> -> memref<800x32xf32, #tpu.memory_space<hbm>>
      tpu.wait_dma2 semaphore(%arg21 : memref<!tpu.dma_semaphore, #tpu.memory_space<semaphore_mem>>) src(%arg9 : memref<800x32xf32, #tpu.memory_space<vmem>>) dst(%dma_wait3A_231 : memref<800x32xf32, #tpu.memory_space<hbm>>)
      %dma_start3A_232 = arith.constant 0 : i32
      %dma_start3A_233 = arith.constant 0 : i32
      %dma_start3A_234 = tpu.memref_slice %arg3[%dma_start3A_232, %dma_start3A_233] : memref<100000x32xf32, #tpu.memory_space<hbm>> -> memref<100000x32xf32, #tpu.memory_space<hbm>>
      tpu.enqueue_indirect_dma source(%dma_start3A_234 : memref<100000x32xf32, #tpu.memory_space<hbm>>) target(%arg9 : memref<800x32xf32, #tpu.memory_space<vmem>>) offsets(%arg5 : memref<800xi32, #tpu.memory_space<vmem>>) semaphore(%arg17 : memref<!tpu.dma_semaphore, #tpu.memory_space<semaphore_mem>>)
      %dma_wait3A_235 = arith.constant 0 : i32
      %dma_wait3A_236 = arith.constant 0 : i32
      %dma_wait3A_237 = tpu.memref_slice %arg3[%dma_wait3A_235, %dma_wait3A_236] : memref<100000x32xf32, #tpu.memory_space<hbm>> -> memref<100000x32xf32, #tpu.memory_space<hbm>>
      tpu.wait_indirect_dma semaphore(%arg18 : memref<!tpu.dma_semaphore, #tpu.memory_space<semaphore_mem>>) src(%dma_wait3A_237 : memref<100000x32xf32, #tpu.memory_space<hbm>>) dst(%arg10 : memref<800x32xf32, #tpu.memory_space<vmem>>)
      %sub3A = arith.constant 3 : i32
      %sub3A_238 = arith.subi %add3A_221, %sub3A : i32
      %mul3A_239 = arith.constant 800 : i32
      %mul3A_240 = arith.muli %sub3A_238, %mul3A_239 : i32
      %add3A_241 = arith.addi %mul3A_2, %mul3A_240 : i32
      %dma_start3A_242 = arith.constant 0 : i32
      %dma_start3A_243 = tpu.memref_slice %arg4[%add3A_241, %dma_start3A_242] : memref<819200x32xf32, #tpu.memory_space<hbm>> -> memref<800x32xf32, #tpu.memory_space<hbm>>
      %dma_start3A_244 = arith.constant 0 : i32
      %dma_start3A_245 = tpu.memref_slice %arg4[%add3A_241, %dma_start3A_244] : memref<819200x32xf32, #tpu.memory_space<hbm>> -> memref<800x32xf32, #tpu.memory_space<hbm>>
      tpu.enqueue_dma source(%arg10 : memref<800x32xf32, #tpu.memory_space<vmem>>) target(%dma_start3A_245 : memref<800x32xf32, #tpu.memory_space<hbm>>) target_semaphore(%arg22 : memref<!tpu.dma_semaphore, #tpu.memory_space<semaphore_mem>>)
      %add3A_246 = arith.constant 1 : i32
      %add3A_247 = arith.addi %add3A_221, %add3A_246 : i32
      %mul3A_248 = arith.constant 800 : i32
      %mul3A_249 = arith.muli %add3A_247, %mul3A_248 : i32
      %add3A_250 = arith.addi %mul3A_2, %mul3A_249 : i32
      %dma_start3A_251 = tpu.memref_slice %arg2[%add3A_250] : memref<819200xi32, #tpu.memory_space<hbm>> -> memref<800xi32, #tpu.memory_space<hbm>>
      %dma_start3A_252 = tpu.memref_slice %arg2[%add3A_250] : memref<819200xi32, #tpu.memory_space<hbm>> -> memref<800xi32, #tpu.memory_space<hbm>>
      tpu.enqueue_dma source(%dma_start3A_252 : memref<800xi32, #tpu.memory_space<hbm>>) target(%arg6 : memref<800xi32, #tpu.memory_space<vmem>>) target_semaphore(%arg14 : memref<!tpu.dma_semaphore, #tpu.memory_space<semaphore_mem>>)
      %mul3A_253 = arith.constant 4 : i32
      %mul3A_254 = arith.muli %add3A_217, %mul3A_253 : i32
      %add3A_255 = arith.constant 1 : i32
      %add3A_256 = arith.addi %mul3A_254, %add3A_255 : i32
      %dma_wait3A_257 = arith.constant 0 : i32
      %dma_wait3A_258 = tpu.memref_slice %arg2[%dma_wait3A_257] : memref<819200xi32, #tpu.memory_space<hbm>> -> memref<800xi32, #tpu.memory_space<hbm>>
      %dma_wait3A_259 = arith.constant 0 : i32
      %dma_wait3A_260 = tpu.memref_slice %arg2[%dma_wait3A_259] : memref<819200xi32, #tpu.memory_space<hbm>> -> memref<800xi32, #tpu.memory_space<hbm>>
      tpu.wait_dma2 semaphore(%arg14 : memref<!tpu.dma_semaphore, #tpu.memory_space<semaphore_mem>>) src(%dma_wait3A_260 : memref<800xi32, #tpu.memory_space<hbm>>) dst(%arg6 : memref<800xi32, #tpu.memory_space<vmem>>)
      %dma_wait3A_261 = arith.constant 0 : i32
      %dma_wait3A_262 = arith.constant 0 : i32
      %dma_wait3A_263 = tpu.memref_slice %arg4[%dma_wait3A_261, %dma_wait3A_262] : memref<819200x32xf32, #tpu.memory_space<hbm>> -> memref<800x32xf32, #tpu.memory_space<hbm>>
      %dma_wait3A_264 = arith.constant 0 : i32
      %dma_wait3A_265 = arith.constant 0 : i32
      %dma_wait3A_266 = tpu.memref_slice %arg4[%dma_wait3A_264, %dma_wait3A_265] : memref<819200x32xf32, #tpu.memory_space<hbm>> -> memref<800x32xf32, #tpu.memory_space<hbm>>
      tpu.wait_dma2 semaphore(%arg22 : memref<!tpu.dma_semaphore, #tpu.memory_space<semaphore_mem>>) src(%arg10 : memref<800x32xf32, #tpu.memory_space<vmem>>) dst(%dma_wait3A_266 : memref<800x32xf32, #tpu.memory_space<hbm>>)
      %dma_start3A_267 = arith.constant 0 : i32
      %dma_start3A_268 = arith.constant 0 : i32
      %dma_start3A_269 = tpu.memref_slice %arg3[%dma_start3A_267, %dma_start3A_268] : memref<100000x32xf32, #tpu.memory_space<hbm>> -> memref<100000x32xf32, #tpu.memory_space<hbm>>
      tpu.enqueue_indirect_dma source(%dma_start3A_269 : memref<100000x32xf32, #tpu.memory_space<hbm>>) target(%arg10 : memref<800x32xf32, #tpu.memory_space<vmem>>) offsets(%arg6 : memref<800xi32, #tpu.memory_space<vmem>>) semaphore(%arg18 : memref<!tpu.dma_semaphore, #tpu.memory_space<semaphore_mem>>)
      %dma_wait3A_270 = arith.constant 0 : i32
      %dma_wait3A_271 = arith.constant 0 : i32
      %dma_wait3A_272 = tpu.memref_slice %arg3[%dma_wait3A_270, %dma_wait3A_271] : memref<100000x32xf32, #tpu.memory_space<hbm>> -> memref<100000x32xf32, #tpu.memory_space<hbm>>
      tpu.wait_indirect_dma semaphore(%arg19 : memref<!tpu.dma_semaphore, #tpu.memory_space<semaphore_mem>>) src(%dma_wait3A_272 : memref<100000x32xf32, #tpu.memory_space<hbm>>) dst(%arg11 : memref<800x32xf32, #tpu.memory_space<vmem>>)
      %sub3A_273 = arith.constant 3 : i32
      %sub3A_274 = arith.subi %add3A_256, %sub3A_273 : i32
      %mul3A_275 = arith.constant 800 : i32
      %mul3A_276 = arith.muli %sub3A_274, %mul3A_275 : i32
      %add3A_277 = arith.addi %mul3A_2, %mul3A_276 : i32
      %dma_start3A_278 = arith.constant 0 : i32
      %dma_start3A_279 = tpu.memref_slice %arg4[%add3A_277, %dma_start3A_278] : memref<819200x32xf32, #tpu.memory_space<hbm>> -> memref<800x32xf32, #tpu.memory_space<hbm>>
      %dma_start3A_280 = arith.constant 0 : i32
      %dma_start3A_281 = tpu.memref_slice %arg4[%add3A_277, %dma_start3A_280] : memref<819200x32xf32, #tpu.memory_space<hbm>> -> memref<800x32xf32, #tpu.memory_space<hbm>>
      tpu.enqueue_dma source(%arg11 : memref<800x32xf32, #tpu.memory_space<vmem>>) target(%dma_start3A_281 : memref<800x32xf32, #tpu.memory_space<hbm>>) target_semaphore(%arg23 : memref<!tpu.dma_semaphore, #tpu.memory_space<semaphore_mem>>)
      %add3A_282 = arith.constant 1 : i32
      %add3A_283 = arith.addi %add3A_256, %add3A_282 : i32
      %mul3A_284 = arith.constant 800 : i32
      %mul3A_285 = arith.muli %add3A_283, %mul3A_284 : i32
      %add3A_286 = arith.addi %mul3A_2, %mul3A_285 : i32
      %dma_start3A_287 = tpu.memref_slice %arg2[%add3A_286] : memref<819200xi32, #tpu.memory_space<hbm>> -> memref<800xi32, #tpu.memory_space<hbm>>
      %dma_start3A_288 = tpu.memref_slice %arg2[%add3A_286] : memref<819200xi32, #tpu.memory_space<hbm>> -> memref<800xi32, #tpu.memory_space<hbm>>
      tpu.enqueue_dma source(%dma_start3A_288 : memref<800xi32, #tpu.memory_space<hbm>>) target(%arg7 : memref<800xi32, #tpu.memory_space<vmem>>) target_semaphore(%arg15 : memref<!tpu.dma_semaphore, #tpu.memory_space<semaphore_mem>>)
      %mul3A_289 = arith.constant 4 : i32
      %mul3A_290 = arith.muli %add3A_217, %mul3A_289 : i32
      %add3A_291 = arith.constant 2 : i32
      %add3A_292 = arith.addi %mul3A_290, %add3A_291 : i32
      %dma_wait3A_293 = arith.constant 0 : i32
      %dma_wait3A_294 = tpu.memref_slice %arg2[%dma_wait3A_293] : memref<819200xi32, #tpu.memory_space<hbm>> -> memref<800xi32, #tpu.memory_space<hbm>>
      %dma_wait3A_295 = arith.constant 0 : i32
      %dma_wait3A_296 = tpu.memref_slice %arg2[%dma_wait3A_295] : memref<819200xi32, #tpu.memory_space<hbm>> -> memref<800xi32, #tpu.memory_space<hbm>>
      tpu.wait_dma2 semaphore(%arg15 : memref<!tpu.dma_semaphore, #tpu.memory_space<semaphore_mem>>) src(%dma_wait3A_296 : memref<800xi32, #tpu.memory_space<hbm>>) dst(%arg7 : memref<800xi32, #tpu.memory_space<vmem>>)
      %dma_wait3A_297 = arith.constant 0 : i32
      %dma_wait3A_298 = arith.constant 0 : i32
      %dma_wait3A_299 = tpu.memref_slice %arg4[%dma_wait3A_297, %dma_wait3A_298] : memref<819200x32xf32, #tpu.memory_space<hbm>> -> memref<800x32xf32, #tpu.memory_space<hbm>>
      %dma_wait3A_300 = arith.constant 0 : i32
      %dma_wait3A_301 = arith.constant 0 : i32
      %dma_wait3A_302 = tpu.memref_slice %arg4[%dma_wait3A_300, %dma_wait3A_301] : memref<819200x32xf32, #tpu.memory_space<hbm>> -> memref<800x32xf32, #tpu.memory_space<hbm>>
      tpu.wait_dma2 semaphore(%arg23 : memref<!tpu.dma_semaphore, #tpu.memory_space<semaphore_mem>>) src(%arg11 : memref<800x32xf32, #tpu.memory_space<vmem>>) dst(%dma_wait3A_302 : memref<800x32xf32, #tpu.memory_space<hbm>>)
      %dma_start3A_303 = arith.constant 0 : i32
      %dma_start3A_304 = arith.constant 0 : i32
      %dma_start3A_305 = tpu.memref_slice %arg3[%dma_start3A_303, %dma_start3A_304] : memref<100000x32xf32, #tpu.memory_space<hbm>> -> memref<100000x32xf32, #tpu.memory_space<hbm>>
      tpu.enqueue_indirect_dma source(%dma_start3A_305 : memref<100000x32xf32, #tpu.memory_space<hbm>>) target(%arg11 : memref<800x32xf32, #tpu.memory_space<vmem>>) offsets(%arg7 : memref<800xi32, #tpu.memory_space<vmem>>) semaphore(%arg19 : memref<!tpu.dma_semaphore, #tpu.memory_space<semaphore_mem>>)
      %dma_wait3A_306 = arith.constant 0 : i32
      %dma_wait3A_307 = arith.constant 0 : i32
      %dma_wait3A_308 = tpu.memref_slice %arg3[%dma_wait3A_306, %dma_wait3A_307] : memref<100000x32xf32, #tpu.memory_space<hbm>> -> memref<100000x32xf32, #tpu.memory_space<hbm>>
      tpu.wait_indirect_dma semaphore(%arg20 : memref<!tpu.dma_semaphore, #tpu.memory_space<semaphore_mem>>) src(%dma_wait3A_308 : memref<100000x32xf32, #tpu.memory_space<hbm>>) dst(%arg12 : memref<800x32xf32, #tpu.memory_space<vmem>>)
      %sub3A_309 = arith.constant 3 : i32
      %sub3A_310 = arith.subi %add3A_292, %sub3A_309 : i32
      %mul3A_311 = arith.constant 800 : i32
      %mul3A_312 = arith.muli %sub3A_310, %mul3A_311 : i32
      %add3A_313 = arith.addi %mul3A_2, %mul3A_312 : i32
      %dma_start3A_314 = arith.constant 0 : i32
      %dma_start3A_315 = tpu.memref_slice %arg4[%add3A_313, %dma_start3A_314] : memref<819200x32xf32, #tpu.memory_space<hbm>> -> memref<800x32xf32, #tpu.memory_space<hbm>>
      %dma_start3A_316 = arith.constant 0 : i32
      %dma_start3A_317 = tpu.memref_slice %arg4[%add3A_313, %dma_start3A_316] : memref<819200x32xf32, #tpu.memory_space<hbm>> -> memref<800x32xf32, #tpu.memory_space<hbm>>
      tpu.enqueue_dma source(%arg12 : memref<800x32xf32, #tpu.memory_space<vmem>>) target(%dma_start3A_317 : memref<800x32xf32, #tpu.memory_space<hbm>>) target_semaphore(%arg24 : memref<!tpu.dma_semaphore, #tpu.memory_space<semaphore_mem>>)
      %add3A_318 = arith.constant 1 : i32
      %add3A_319 = arith.addi %add3A_292, %add3A_318 : i32
      %mul3A_320 = arith.constant 800 : i32
      %mul3A_321 = arith.muli %add3A_319, %mul3A_320 : i32
      %add3A_322 = arith.addi %mul3A_2, %mul3A_321 : i32
      %dma_start3A_323 = tpu.memref_slice %arg2[%add3A_322] : memref<819200xi32, #tpu.memory_space<hbm>> -> memref<800xi32, #tpu.memory_space<hbm>>
      %dma_start3A_324 = tpu.memref_slice %arg2[%add3A_322] : memref<819200xi32, #tpu.memory_space<hbm>> -> memref<800xi32, #tpu.memory_space<hbm>>
      tpu.enqueue_dma source(%dma_start3A_324 : memref<800xi32, #tpu.memory_space<hbm>>) target(%arg8 : memref<800xi32, #tpu.memory_space<vmem>>) target_semaphore(%arg16 : memref<!tpu.dma_semaphore, #tpu.memory_space<semaphore_mem>>)
      %mul3A_325 = arith.constant 4 : i32
      %mul3A_326 = arith.muli %add3A_217, %mul3A_325 : i32
      %add3A_327 = arith.constant 3 : i32
      %add3A_328 = arith.addi %mul3A_326, %add3A_327 : i32
      %dma_wait3A_329 = arith.constant 0 : i32
      %dma_wait3A_330 = tpu.memref_slice %arg2[%dma_wait3A_329] : memref<819200xi32, #tpu.memory_space<hbm>> -> memref<800xi32, #tpu.memory_space<hbm>>
      %dma_wait3A_331 = arith.constant 0 : i32
      %dma_wait3A_332 = tpu.memref_slice %arg2[%dma_wait3A_331] : memref<819200xi32, #tpu.memory_space<hbm>> -> memref<800xi32, #tpu.memory_space<hbm>>
      tpu.wait_dma2 semaphore(%arg16 : memref<!tpu.dma_semaphore, #tpu.memory_space<semaphore_mem>>) src(%dma_wait3A_332 : memref<800xi32, #tpu.memory_space<hbm>>) dst(%arg8 : memref<800xi32, #tpu.memory_space<vmem>>)
      %dma_wait3A_333 = arith.constant 0 : i32
      %dma_wait3A_334 = arith.constant 0 : i32
      %dma_wait3A_335 = tpu.memref_slice %arg4[%dma_wait3A_333, %dma_wait3A_334] : memref<819200x32xf32, #tpu.memory_space<hbm>> -> memref<800x32xf32, #tpu.memory_space<hbm>>
      %dma_wait3A_336 = arith.constant 0 : i32
      %dma_wait3A_337 = arith.constant 0 : i32
      %dma_wait3A_338 = tpu.memref_slice %arg4[%dma_wait3A_336, %dma_wait3A_337] : memref<819200x32xf32, #tpu.memory_space<hbm>> -> memref<800x32xf32, #tpu.memory_space<hbm>>
      tpu.wait_dma2 semaphore(%arg24 : memref<!tpu.dma_semaphore, #tpu.memory_space<semaphore_mem>>) src(%arg12 : memref<800x32xf32, #tpu.memory_space<vmem>>) dst(%dma_wait3A_338 : memref<800x32xf32, #tpu.memory_space<hbm>>)
      %dma_start3A_339 = arith.constant 0 : i32
      %dma_start3A_340 = arith.constant 0 : i32
      %dma_start3A_341 = tpu.memref_slice %arg3[%dma_start3A_339, %dma_start3A_340] : memref<100000x32xf32, #tpu.memory_space<hbm>> -> memref<100000x32xf32, #tpu.memory_space<hbm>>
      tpu.enqueue_indirect_dma source(%dma_start3A_341 : memref<100000x32xf32, #tpu.memory_space<hbm>>) target(%arg12 : memref<800x32xf32, #tpu.memory_space<vmem>>) offsets(%arg8 : memref<800xi32, #tpu.memory_space<vmem>>) semaphore(%arg20 : memref<!tpu.dma_semaphore, #tpu.memory_space<semaphore_mem>>)
      %dma_wait3A_342 = arith.constant 0 : i32
      %dma_wait3A_343 = arith.constant 0 : i32
      %dma_wait3A_344 = tpu.memref_slice %arg3[%dma_wait3A_342, %dma_wait3A_343] : memref<100000x32xf32, #tpu.memory_space<hbm>> -> memref<100000x32xf32, #tpu.memory_space<hbm>>
      tpu.wait_indirect_dma semaphore(%arg17 : memref<!tpu.dma_semaphore, #tpu.memory_space<semaphore_mem>>) src(%dma_wait3A_344 : memref<100000x32xf32, #tpu.memory_space<hbm>>) dst(%arg9 : memref<800x32xf32, #tpu.memory_space<vmem>>)
      %sub3A_345 = arith.constant 3 : i32
      %sub3A_346 = arith.subi %add3A_328, %sub3A_345 : i32
      %mul3A_347 = arith.constant 800 : i32
      %mul3A_348 = arith.muli %sub3A_346, %mul3A_347 : i32
      %add3A_349 = arith.addi %mul3A_2, %mul3A_348 : i32
      %dma_start3A_350 = arith.constant 0 : i32
      %dma_start3A_351 = tpu.memref_slice %arg4[%add3A_349, %dma_start3A_350] : memref<819200x32xf32, #tpu.memory_space<hbm>> -> memref<800x32xf32, #tpu.memory_space<hbm>>
      %dma_start3A_352 = arith.constant 0 : i32
      %dma_start3A_353 = tpu.memref_slice %arg4[%add3A_349, %dma_start3A_352] : memref<819200x32xf32, #tpu.memory_space<hbm>> -> memref<800x32xf32, #tpu.memory_space<hbm>>
      tpu.enqueue_dma source(%arg9 : memref<800x32xf32, #tpu.memory_space<vmem>>) target(%dma_start3A_353 : memref<800x32xf32, #tpu.memory_space<hbm>>) target_semaphore(%arg21 : memref<!tpu.dma_semaphore, #tpu.memory_space<semaphore_mem>>)
      %add3A_354 = arith.constant 1 : i32
      %add3A_355 = arith.addi %add3A_328, %add3A_354 : i32
      %mul3A_356 = arith.constant 800 : i32
      %mul3A_357 = arith.muli %add3A_355, %mul3A_356 : i32
      %add3A_358 = arith.addi %mul3A_2, %mul3A_357 : i32
      %dma_start3A_359 = tpu.memref_slice %arg2[%add3A_358] : memref<819200xi32, #tpu.memory_space<hbm>> -> memref<800xi32, #tpu.memory_space<hbm>>
      %dma_start3A_360 = tpu.memref_slice %arg2[%add3A_358] : memref<819200xi32, #tpu.memory_space<hbm>> -> memref<800xi32, #tpu.memory_space<hbm>>
      tpu.enqueue_dma source(%dma_start3A_360 : memref<800xi32, #tpu.memory_space<hbm>>) target(%arg5 : memref<800xi32, #tpu.memory_space<vmem>>) target_semaphore(%arg13 : memref<!tpu.dma_semaphore, #tpu.memory_space<semaphore_mem>>)
    }
    %scan3A_61 = arith.constant 6 : i32
    %dma_wait3A_62 = arith.constant 0 : i32
    %dma_wait3A_63 = tpu.memref_slice %arg2[%dma_wait3A_62] : memref<819200xi32, #tpu.memory_space<hbm>> -> memref<800xi32, #tpu.memory_space<hbm>>
    %dma_wait3A_64 = arith.constant 0 : i32
    %dma_wait3A_65 = tpu.memref_slice %arg2[%dma_wait3A_64] : memref<819200xi32, #tpu.memory_space<hbm>> -> memref<800xi32, #tpu.memory_space<hbm>>
    tpu.wait_dma2 semaphore(%arg13 : memref<!tpu.dma_semaphore, #tpu.memory_space<semaphore_mem>>) src(%dma_wait3A_65 : memref<800xi32, #tpu.memory_space<hbm>>) dst(%arg5 : memref<800xi32, #tpu.memory_space<vmem>>)
    %dma_wait3A_66 = arith.constant 0 : i32
    %dma_wait3A_67 = arith.constant 0 : i32
    %dma_wait3A_68 = tpu.memref_slice %arg4[%dma_wait3A_66, %dma_wait3A_67] : memref<819200x32xf32, #tpu.memory_space<hbm>> -> memref<800x32xf32, #tpu.memory_space<hbm>>
    %dma_wait3A_69 = arith.constant 0 : i32
    %dma_wait3A_70 = arith.constant 0 : i32
    %dma_wait3A_71 = tpu.memref_slice %arg4[%dma_wait3A_69, %dma_wait3A_70] : memref<819200x32xf32, #tpu.memory_space<hbm>> -> memref<800x32xf32, #tpu.memory_space<hbm>>
    tpu.wait_dma2 semaphore(%arg21 : memref<!tpu.dma_semaphore, #tpu.memory_space<semaphore_mem>>) src(%arg9 : memref<800x32xf32, #tpu.memory_space<vmem>>) dst(%dma_wait3A_71 : memref<800x32xf32, #tpu.memory_space<hbm>>)
    %dma_start3A_72 = arith.constant 0 : i32
    %dma_start3A_73 = arith.constant 0 : i32
    %dma_start3A_74 = tpu.memref_slice %arg3[%dma_start3A_72, %dma_start3A_73] : memref<100000x32xf32, #tpu.memory_space<hbm>> -> memref<100000x32xf32, #tpu.memory_space<hbm>>
    tpu.enqueue_indirect_dma source(%dma_start3A_74 : memref<100000x32xf32, #tpu.memory_space<hbm>>) target(%arg9 : memref<800x32xf32, #tpu.memory_space<vmem>>) offsets(%arg5 : memref<800xi32, #tpu.memory_space<vmem>>) semaphore(%arg17 : memref<!tpu.dma_semaphore, #tpu.memory_space<semaphore_mem>>)
    %dma_wait3A_75 = arith.constant 0 : i32
    %dma_wait3A_76 = arith.constant 0 : i32
    %dma_wait3A_77 = tpu.memref_slice %arg3[%dma_wait3A_75, %dma_wait3A_76] : memref<100000x32xf32, #tpu.memory_space<hbm>> -> memref<100000x32xf32, #tpu.memory_space<hbm>>
    tpu.wait_indirect_dma semaphore(%arg18 : memref<!tpu.dma_semaphore, #tpu.memory_space<semaphore_mem>>) src(%dma_wait3A_77 : memref<100000x32xf32, #tpu.memory_space<hbm>>) dst(%arg10 : memref<800x32xf32, #tpu.memory_space<vmem>>)
    %add3A_78 = arith.constant 20000 : i32
    %add3A_79 = arith.addi %mul3A_2, %add3A_78 : i32
    %dma_start3A_80 = arith.constant 0 : i32
    %dma_start3A_81 = tpu.memref_slice %arg4[%add3A_79, %dma_start3A_80] : memref<819200x32xf32, #tpu.memory_space<hbm>> -> memref<800x32xf32, #tpu.memory_space<hbm>>
    %dma_start3A_82 = arith.constant 0 : i32
    %dma_start3A_83 = tpu.memref_slice %arg4[%add3A_79, %dma_start3A_82] : memref<819200x32xf32, #tpu.memory_space<hbm>> -> memref<800x32xf32, #tpu.memory_space<hbm>>
    tpu.enqueue_dma source(%arg10 : memref<800x32xf32, #tpu.memory_space<vmem>>) target(%dma_start3A_83 : memref<800x32xf32, #tpu.memory_space<hbm>>) target_semaphore(%arg22 : memref<!tpu.dma_semaphore, #tpu.memory_space<semaphore_mem>>)
    %add3A_84 = arith.constant 23200 : i32
    %add3A_85 = arith.addi %mul3A_2, %add3A_84 : i32
    %dma_start3A_86 = tpu.memref_slice %arg2[%add3A_85] : memref<819200xi32, #tpu.memory_space<hbm>> -> memref<800xi32, #tpu.memory_space<hbm>>
    %dma_start3A_87 = tpu.memref_slice %arg2[%add3A_85] : memref<819200xi32, #tpu.memory_space<hbm>> -> memref<800xi32, #tpu.memory_space<hbm>>
    tpu.enqueue_dma source(%dma_start3A_87 : memref<800xi32, #tpu.memory_space<hbm>>) target(%arg6 : memref<800xi32, #tpu.memory_space<vmem>>) target_semaphore(%arg14 : memref<!tpu.dma_semaphore, #tpu.memory_space<semaphore_mem>>)
    %dma_wait3A_88 = arith.constant 0 : i32
    %dma_wait3A_89 = tpu.memref_slice %arg2[%dma_wait3A_88] : memref<819200xi32, #tpu.memory_space<hbm>> -> memref<800xi32, #tpu.memory_space<hbm>>
    %dma_wait3A_90 = arith.constant 0 : i32
    %dma_wait3A_91 = tpu.memref_slice %arg2[%dma_wait3A_90] : memref<819200xi32, #tpu.memory_space<hbm>> -> memref<800xi32, #tpu.memory_space<hbm>>
    tpu.wait_dma2 semaphore(%arg14 : memref<!tpu.dma_semaphore, #tpu.memory_space<semaphore_mem>>) src(%dma_wait3A_91 : memref<800xi32, #tpu.memory_space<hbm>>) dst(%arg6 : memref<800xi32, #tpu.memory_space<vmem>>)
    %dma_wait3A_92 = arith.constant 0 : i32
    %dma_wait3A_93 = arith.constant 0 : i32
    %dma_wait3A_94 = tpu.memref_slice %arg4[%dma_wait3A_92, %dma_wait3A_93] : memref<819200x32xf32, #tpu.memory_space<hbm>> -> memref<800x32xf32, #tpu.memory_space<hbm>>
    %dma_wait3A_95 = arith.constant 0 : i32
    %dma_wait3A_96 = arith.constant 0 : i32
    %dma_wait3A_97 = tpu.memref_slice %arg4[%dma_wait3A_95, %dma_wait3A_96] : memref<819200x32xf32, #tpu.memory_space<hbm>> -> memref<800x32xf32, #tpu.memory_space<hbm>>
    tpu.wait_dma2 semaphore(%arg22 : memref<!tpu.dma_semaphore, #tpu.memory_space<semaphore_mem>>) src(%arg10 : memref<800x32xf32, #tpu.memory_space<vmem>>) dst(%dma_wait3A_97 : memref<800x32xf32, #tpu.memory_space<hbm>>)
    %dma_start3A_98 = arith.constant 0 : i32
    %dma_start3A_99 = arith.constant 0 : i32
    %dma_start3A_100 = tpu.memref_slice %arg3[%dma_start3A_98, %dma_start3A_99] : memref<100000x32xf32, #tpu.memory_space<hbm>> -> memref<100000x32xf32, #tpu.memory_space<hbm>>
    tpu.enqueue_indirect_dma source(%dma_start3A_100 : memref<100000x32xf32, #tpu.memory_space<hbm>>) target(%arg10 : memref<800x32xf32, #tpu.memory_space<vmem>>) offsets(%arg6 : memref<800xi32, #tpu.memory_space<vmem>>) semaphore(%arg18 : memref<!tpu.dma_semaphore, #tpu.memory_space<semaphore_mem>>)
    %dma_wait3A_101 = arith.constant 0 : i32
    %dma_wait3A_102 = arith.constant 0 : i32
    %dma_wait3A_103 = tpu.memref_slice %arg3[%dma_wait3A_101, %dma_wait3A_102] : memref<100000x32xf32, #tpu.memory_space<hbm>> -> memref<100000x32xf32, #tpu.memory_space<hbm>>
    tpu.wait_indirect_dma semaphore(%arg19 : memref<!tpu.dma_semaphore, #tpu.memory_space<semaphore_mem>>) src(%dma_wait3A_103 : memref<100000x32xf32, #tpu.memory_space<hbm>>) dst(%arg11 : memref<800x32xf32, #tpu.memory_space<vmem>>)
    %add3A_104 = arith.constant 20800 : i32
    %add3A_105 = arith.addi %mul3A_2, %add3A_104 : i32
    %dma_start3A_106 = arith.constant 0 : i32
    %dma_start3A_107 = tpu.memref_slice %arg4[%add3A_105, %dma_start3A_106] : memref<819200x32xf32, #tpu.memory_space<hbm>> -> memref<800x32xf32, #tpu.memory_space<hbm>>
    %dma_start3A_108 = arith.constant 0 : i32
    %dma_start3A_109 = tpu.memref_slice %arg4[%add3A_105, %dma_start3A_108] : memref<819200x32xf32, #tpu.memory_space<hbm>> -> memref<800x32xf32, #tpu.memory_space<hbm>>
    tpu.enqueue_dma source(%arg11 : memref<800x32xf32, #tpu.memory_space<vmem>>) target(%dma_start3A_109 : memref<800x32xf32, #tpu.memory_space<hbm>>) target_semaphore(%arg23 : memref<!tpu.dma_semaphore, #tpu.memory_space<semaphore_mem>>)
    %add3A_110 = arith.constant 24000 : i32
    %add3A_111 = arith.addi %mul3A_2, %add3A_110 : i32
    %dma_start3A_112 = tpu.memref_slice %arg2[%add3A_111] : memref<819200xi32, #tpu.memory_space<hbm>> -> memref<800xi32, #tpu.memory_space<hbm>>
    %dma_start3A_113 = tpu.memref_slice %arg2[%add3A_111] : memref<819200xi32, #tpu.memory_space<hbm>> -> memref<800xi32, #tpu.memory_space<hbm>>
    tpu.enqueue_dma source(%dma_start3A_113 : memref<800xi32, #tpu.memory_space<hbm>>) target(%arg7 : memref<800xi32, #tpu.memory_space<vmem>>) target_semaphore(%arg15 : memref<!tpu.dma_semaphore, #tpu.memory_space<semaphore_mem>>)
    %dma_wait3A_114 = arith.constant 0 : i32
    %dma_wait3A_115 = tpu.memref_slice %arg2[%dma_wait3A_114] : memref<819200xi32, #tpu.memory_space<hbm>> -> memref<800xi32, #tpu.memory_space<hbm>>
    %dma_wait3A_116 = arith.constant 0 : i32
    %dma_wait3A_117 = tpu.memref_slice %arg2[%dma_wait3A_116] : memref<819200xi32, #tpu.memory_space<hbm>> -> memref<800xi32, #tpu.memory_space<hbm>>
    tpu.wait_dma2 semaphore(%arg15 : memref<!tpu.dma_semaphore, #tpu.memory_space<semaphore_mem>>) src(%dma_wait3A_117 : memref<800xi32, #tpu.memory_space<hbm>>) dst(%arg7 : memref<800xi32, #tpu.memory_space<vmem>>)
    %dma_wait3A_118 = arith.constant 0 : i32
    %dma_wait3A_119 = arith.constant 0 : i32
    %dma_wait3A_120 = tpu.memref_slice %arg4[%dma_wait3A_118, %dma_wait3A_119] : memref<819200x32xf32, #tpu.memory_space<hbm>> -> memref<800x32xf32, #tpu.memory_space<hbm>>
    %dma_wait3A_121 = arith.constant 0 : i32
    %dma_wait3A_122 = arith.constant 0 : i32
    %dma_wait3A_123 = tpu.memref_slice %arg4[%dma_wait3A_121, %dma_wait3A_122] : memref<819200x32xf32, #tpu.memory_space<hbm>> -> memref<800x32xf32, #tpu.memory_space<hbm>>
    tpu.wait_dma2 semaphore(%arg23 : memref<!tpu.dma_semaphore, #tpu.memory_space<semaphore_mem>>) src(%arg11 : memref<800x32xf32, #tpu.memory_space<vmem>>) dst(%dma_wait3A_123 : memref<800x32xf32, #tpu.memory_space<hbm>>)
    %dma_start3A_124 = arith.constant 0 : i32
    %dma_start3A_125 = arith.constant 0 : i32
    %dma_start3A_126 = tpu.memref_slice %arg3[%dma_start3A_124, %dma_start3A_125] : memref<100000x32xf32, #tpu.memory_space<hbm>> -> memref<100000x32xf32, #tpu.memory_space<hbm>>
    tpu.enqueue_indirect_dma source(%dma_start3A_126 : memref<100000x32xf32, #tpu.memory_space<hbm>>) target(%arg11 : memref<800x32xf32, #tpu.memory_space<vmem>>) offsets(%arg7 : memref<800xi32, #tpu.memory_space<vmem>>) semaphore(%arg19 : memref<!tpu.dma_semaphore, #tpu.memory_space<semaphore_mem>>)
    %dma_wait3A_127 = arith.constant 0 : i32
    %dma_wait3A_128 = arith.constant 0 : i32
    %dma_wait3A_129 = tpu.memref_slice %arg3[%dma_wait3A_127, %dma_wait3A_128] : memref<100000x32xf32, #tpu.memory_space<hbm>> -> memref<100000x32xf32, #tpu.memory_space<hbm>>
    tpu.wait_indirect_dma semaphore(%arg20 : memref<!tpu.dma_semaphore, #tpu.memory_space<semaphore_mem>>) src(%dma_wait3A_129 : memref<100000x32xf32, #tpu.memory_space<hbm>>) dst(%arg12 : memref<800x32xf32, #tpu.memory_space<vmem>>)
    %add3A_130 = arith.constant 21600 : i32
    %add3A_131 = arith.addi %mul3A_2, %add3A_130 : i32
    %dma_start3A_132 = arith.constant 0 : i32
    %dma_start3A_133 = tpu.memref_slice %arg4[%add3A_131, %dma_start3A_132] : memref<819200x32xf32, #tpu.memory_space<hbm>> -> memref<800x32xf32, #tpu.memory_space<hbm>>
    %dma_start3A_134 = arith.constant 0 : i32
    %dma_start3A_135 = tpu.memref_slice %arg4[%add3A_131, %dma_start3A_134] : memref<819200x32xf32, #tpu.memory_space<hbm>> -> memref<800x32xf32, #tpu.memory_space<hbm>>
    tpu.enqueue_dma source(%arg12 : memref<800x32xf32, #tpu.memory_space<vmem>>) target(%dma_start3A_135 : memref<800x32xf32, #tpu.memory_space<hbm>>) target_semaphore(%arg24 : memref<!tpu.dma_semaphore, #tpu.memory_space<semaphore_mem>>)
    %add3A_136 = arith.constant 24800 : i32
    %add3A_137 = arith.addi %mul3A_2, %add3A_136 : i32
    %dma_start3A_138 = tpu.memref_slice %arg2[%add3A_137] : memref<819200xi32, #tpu.memory_space<hbm>> -> memref<800xi32, #tpu.memory_space<hbm>>
    %dma_start3A_139 = tpu.memref_slice %arg2[%add3A_137] : memref<819200xi32, #tpu.memory_space<hbm>> -> memref<800xi32, #tpu.memory_space<hbm>>
    tpu.enqueue_dma source(%dma_start3A_139 : memref<800xi32, #tpu.memory_space<hbm>>) target(%arg8 : memref<800xi32, #tpu.memory_space<vmem>>) target_semaphore(%arg16 : memref<!tpu.dma_semaphore, #tpu.memory_space<semaphore_mem>>)
    %dma_wait3A_140 = arith.constant 0 : i32
    %dma_wait3A_141 = tpu.memref_slice %arg2[%dma_wait3A_140] : memref<819200xi32, #tpu.memory_space<hbm>> -> memref<800xi32, #tpu.memory_space<hbm>>
    %dma_wait3A_142 = arith.constant 0 : i32
    %dma_wait3A_143 = tpu.memref_slice %arg2[%dma_wait3A_142] : memref<819200xi32, #tpu.memory_space<hbm>> -> memref<800xi32, #tpu.memory_space<hbm>>
    tpu.wait_dma2 semaphore(%arg16 : memref<!tpu.dma_semaphore, #tpu.memory_space<semaphore_mem>>) src(%dma_wait3A_143 : memref<800xi32, #tpu.memory_space<hbm>>) dst(%arg8 : memref<800xi32, #tpu.memory_space<vmem>>)
    %dma_wait3A_144 = arith.constant 0 : i32
    %dma_wait3A_145 = arith.constant 0 : i32
    %dma_wait3A_146 = tpu.memref_slice %arg4[%dma_wait3A_144, %dma_wait3A_145] : memref<819200x32xf32, #tpu.memory_space<hbm>> -> memref<800x32xf32, #tpu.memory_space<hbm>>
    %dma_wait3A_147 = arith.constant 0 : i32
    %dma_wait3A_148 = arith.constant 0 : i32
    %dma_wait3A_149 = tpu.memref_slice %arg4[%dma_wait3A_147, %dma_wait3A_148] : memref<819200x32xf32, #tpu.memory_space<hbm>> -> memref<800x32xf32, #tpu.memory_space<hbm>>
    tpu.wait_dma2 semaphore(%arg24 : memref<!tpu.dma_semaphore, #tpu.memory_space<semaphore_mem>>) src(%arg12 : memref<800x32xf32, #tpu.memory_space<vmem>>) dst(%dma_wait3A_149 : memref<800x32xf32, #tpu.memory_space<hbm>>)
    %dma_start3A_150 = arith.constant 0 : i32
    %dma_start3A_151 = arith.constant 0 : i32
    %dma_start3A_152 = tpu.memref_slice %arg3[%dma_start3A_150, %dma_start3A_151] : memref<100000x32xf32, #tpu.memory_space<hbm>> -> memref<100000x32xf32, #tpu.memory_space<hbm>>
    tpu.enqueue_indirect_dma source(%dma_start3A_152 : memref<100000x32xf32, #tpu.memory_space<hbm>>) target(%arg12 : memref<800x32xf32, #tpu.memory_space<vmem>>) offsets(%arg8 : memref<800xi32, #tpu.memory_space<vmem>>) semaphore(%arg20 : memref<!tpu.dma_semaphore, #tpu.memory_space<semaphore_mem>>)
    %dma_wait3A_153 = arith.constant 0 : i32
    %dma_wait3A_154 = arith.constant 0 : i32
    %dma_wait3A_155 = tpu.memref_slice %arg3[%dma_wait3A_153, %dma_wait3A_154] : memref<100000x32xf32, #tpu.memory_space<hbm>> -> memref<100000x32xf32, #tpu.memory_space<hbm>>
    tpu.wait_indirect_dma semaphore(%arg17 : memref<!tpu.dma_semaphore, #tpu.memory_space<semaphore_mem>>) src(%dma_wait3A_155 : memref<100000x32xf32, #tpu.memory_space<hbm>>) dst(%arg9 : memref<800x32xf32, #tpu.memory_space<vmem>>)
    %add3A_156 = arith.constant 22400 : i32
    %add3A_157 = arith.addi %mul3A_2, %add3A_156 : i32
    %dma_start3A_158 = arith.constant 0 : i32
    %dma_start3A_159 = tpu.memref_slice %arg4[%add3A_157, %dma_start3A_158] : memref<819200x32xf32, #tpu.memory_space<hbm>> -> memref<800x32xf32, #tpu.memory_space<hbm>>
    %dma_start3A_160 = arith.constant 0 : i32
    %dma_start3A_161 = tpu.memref_slice %arg4[%add3A_157, %dma_start3A_160] : memref<819200x32xf32, #tpu.memory_space<hbm>> -> memref<800x32xf32, #tpu.memory_space<hbm>>
    tpu.enqueue_dma source(%arg9 : memref<800x32xf32, #tpu.memory_space<vmem>>) target(%dma_start3A_161 : memref<800x32xf32, #tpu.memory_space<hbm>>) target_semaphore(%arg21 : memref<!tpu.dma_semaphore, #tpu.memory_space<semaphore_mem>>)
    %dma_wait3A_162 = arith.constant 0 : i32
    %dma_wait3A_163 = arith.constant 0 : i32
    %dma_wait3A_164 = tpu.memref_slice %arg3[%dma_wait3A_162, %dma_wait3A_163] : memref<100000x32xf32, #tpu.memory_space<hbm>> -> memref<100000x32xf32, #tpu.memory_space<hbm>>
    tpu.wait_indirect_dma semaphore(%arg18 : memref<!tpu.dma_semaphore, #tpu.memory_space<semaphore_mem>>) src(%dma_wait3A_164 : memref<100000x32xf32, #tpu.memory_space<hbm>>) dst(%arg10 : memref<800x32xf32, #tpu.memory_space<vmem>>)
    %add3A_165 = arith.constant 23200 : i32
    %add3A_166 = arith.addi %mul3A_2, %add3A_165 : i32
    %dma_start3A_167 = arith.constant 0 : i32
    %dma_start3A_168 = tpu.memref_slice %arg4[%add3A_166, %dma_start3A_167] : memref<819200x32xf32, #tpu.memory_space<hbm>> -> memref<800x32xf32, #tpu.memory_space<hbm>>
    %dma_start3A_169 = arith.constant 0 : i32
    %dma_start3A_170 = tpu.memref_slice %arg4[%add3A_166, %dma_start3A_169] : memref<819200x32xf32, #tpu.memory_space<hbm>> -> memref<800x32xf32, #tpu.memory_space<hbm>>
    tpu.enqueue_dma source(%arg10 : memref<800x32xf32, #tpu.memory_space<vmem>>) target(%dma_start3A_170 : memref<800x32xf32, #tpu.memory_space<hbm>>) target_semaphore(%arg22 : memref<!tpu.dma_semaphore, #tpu.memory_space<semaphore_mem>>)
    %dma_wait3A_171 = arith.constant 0 : i32
    %dma_wait3A_172 = arith.constant 0 : i32
    %dma_wait3A_173 = tpu.memref_slice %arg3[%dma_wait3A_171, %dma_wait3A_172] : memref<100000x32xf32, #tpu.memory_space<hbm>> -> memref<100000x32xf32, #tpu.memory_space<hbm>>
    tpu.wait_indirect_dma semaphore(%arg19 : memref<!tpu.dma_semaphore, #tpu.memory_space<semaphore_mem>>) src(%dma_wait3A_173 : memref<100000x32xf32, #tpu.memory_space<hbm>>) dst(%arg11 : memref<800x32xf32, #tpu.memory_space<vmem>>)
    %add3A_174 = arith.constant 24000 : i32
    %add3A_175 = arith.addi %mul3A_2, %add3A_174 : i32
    %dma_start3A_176 = arith.constant 0 : i32
    %dma_start3A_177 = tpu.memref_slice %arg4[%add3A_175, %dma_start3A_176] : memref<819200x32xf32, #tpu.memory_space<hbm>> -> memref<800x32xf32, #tpu.memory_space<hbm>>
    %dma_start3A_178 = arith.constant 0 : i32
    %dma_start3A_179 = tpu.memref_slice %arg4[%add3A_175, %dma_start3A_178] : memref<819200x32xf32, #tpu.memory_space<hbm>> -> memref<800x32xf32, #tpu.memory_space<hbm>>
    tpu.enqueue_dma source(%arg11 : memref<800x32xf32, #tpu.memory_space<vmem>>) target(%dma_start3A_179 : memref<800x32xf32, #tpu.memory_space<hbm>>) target_semaphore(%arg23 : memref<!tpu.dma_semaphore, #tpu.memory_space<semaphore_mem>>)
    %dma_wait3A_180 = arith.constant 0 : i32
    %dma_wait3A_181 = arith.constant 0 : i32
    %dma_wait3A_182 = tpu.memref_slice %arg3[%dma_wait3A_180, %dma_wait3A_181] : memref<100000x32xf32, #tpu.memory_space<hbm>> -> memref<100000x32xf32, #tpu.memory_space<hbm>>
    tpu.wait_indirect_dma semaphore(%arg20 : memref<!tpu.dma_semaphore, #tpu.memory_space<semaphore_mem>>) src(%dma_wait3A_182 : memref<100000x32xf32, #tpu.memory_space<hbm>>) dst(%arg12 : memref<800x32xf32, #tpu.memory_space<vmem>>)
    %add3A_183 = arith.constant 24800 : i32
    %add3A_184 = arith.addi %mul3A_2, %add3A_183 : i32
    %dma_start3A_185 = arith.constant 0 : i32
    %dma_start3A_186 = tpu.memref_slice %arg4[%add3A_184, %dma_start3A_185] : memref<819200x32xf32, #tpu.memory_space<hbm>> -> memref<800x32xf32, #tpu.memory_space<hbm>>
    %dma_start3A_187 = arith.constant 0 : i32
    %dma_start3A_188 = tpu.memref_slice %arg4[%add3A_184, %dma_start3A_187] : memref<819200x32xf32, #tpu.memory_space<hbm>> -> memref<800x32xf32, #tpu.memory_space<hbm>>
    tpu.enqueue_dma source(%arg12 : memref<800x32xf32, #tpu.memory_space<vmem>>) target(%dma_start3A_188 : memref<800x32xf32, #tpu.memory_space<hbm>>) target_semaphore(%arg24 : memref<!tpu.dma_semaphore, #tpu.memory_space<semaphore_mem>>)
    %dma_wait3A_189 = arith.constant 0 : i32
    %dma_wait3A_190 = arith.constant 0 : i32
    %dma_wait3A_191 = tpu.memref_slice %arg4[%dma_wait3A_189, %dma_wait3A_190] : memref<819200x32xf32, #tpu.memory_space<hbm>> -> memref<800x32xf32, #tpu.memory_space<hbm>>
    %dma_wait3A_192 = arith.constant 0 : i32
    %dma_wait3A_193 = arith.constant 0 : i32
    %dma_wait3A_194 = tpu.memref_slice %arg4[%dma_wait3A_192, %dma_wait3A_193] : memref<819200x32xf32, #tpu.memory_space<hbm>> -> memref<800x32xf32, #tpu.memory_space<hbm>>
    tpu.wait_dma2 semaphore(%arg21 : memref<!tpu.dma_semaphore, #tpu.memory_space<semaphore_mem>>) src(%arg9 : memref<800x32xf32, #tpu.memory_space<vmem>>) dst(%dma_wait3A_194 : memref<800x32xf32, #tpu.memory_space<hbm>>)
    %dma_wait3A_195 = arith.constant 0 : i32
    %dma_wait3A_196 = arith.constant 0 : i32
    %dma_wait3A_197 = tpu.memref_slice %arg4[%dma_wait3A_195, %dma_wait3A_196] : memref<819200x32xf32, #tpu.memory_space<hbm>> -> memref<800x32xf32, #tpu.memory_space<hbm>>
    %dma_wait3A_198 = arith.constant 0 : i32
    %dma_wait3A_199 = arith.constant 0 : i32
    %dma_wait3A_200 = tpu.memref_slice %arg4[%dma_wait3A_198, %dma_wait3A_199] : memref<819200x32xf32, #tpu.memory_space<hbm>> -> memref<800x32xf32, #tpu.memory_space<hbm>>
    tpu.wait_dma2 semaphore(%arg22 : memref<!tpu.dma_semaphore, #tpu.memory_space<semaphore_mem>>) src(%arg10 : memref<800x32xf32, #tpu.memory_space<vmem>>) dst(%dma_wait3A_200 : memref<800x32xf32, #tpu.memory_space<hbm>>)
    %dma_wait3A_201 = arith.constant 0 : i32
    %dma_wait3A_202 = arith.constant 0 : i32
    %dma_wait3A_203 = tpu.memref_slice %arg4[%dma_wait3A_201, %dma_wait3A_202] : memref<819200x32xf32, #tpu.memory_space<hbm>> -> memref<800x32xf32, #tpu.memory_space<hbm>>
    %dma_wait3A_204 = arith.constant 0 : i32
    %dma_wait3A_205 = arith.constant 0 : i32
    %dma_wait3A_206 = tpu.memref_slice %arg4[%dma_wait3A_204, %dma_wait3A_205] : memref<819200x32xf32, #tpu.memory_space<hbm>> -> memref<800x32xf32, #tpu.memory_space<hbm>>
    tpu.wait_dma2 semaphore(%arg23 : memref<!tpu.dma_semaphore, #tpu.memory_space<semaphore_mem>>) src(%arg11 : memref<800x32xf32, #tpu.memory_space<vmem>>) dst(%dma_wait3A_206 : memref<800x32xf32, #tpu.memory_space<hbm>>)
    %dma_wait3A_207 = arith.constant 0 : i32
    %dma_wait3A_208 = arith.constant 0 : i32
    %dma_wait3A_209 = tpu.memref_slice %arg4[%dma_wait3A_207, %dma_wait3A_208] : memref<819200x32xf32, #tpu.memory_space<hbm>> -> memref<800x32xf32, #tpu.memory_space<hbm>>
    %dma_wait3A_210 = arith.constant 0 : i32
    %dma_wait3A_211 = arith.constant 0 : i32
    %dma_wait3A_212 = tpu.memref_slice %arg4[%dma_wait3A_210, %dma_wait3A_211] : memref<819200x32xf32, #tpu.memory_space<hbm>> -> memref<800x32xf32, #tpu.memory_space<hbm>>
    tpu.wait_dma2 semaphore(%arg24 : memref<!tpu.dma_semaphore, #tpu.memory_space<semaphore_mem>>) src(%arg12 : memref<800x32xf32, #tpu.memory_space<vmem>>) dst(%dma_wait3A_212 : memref<800x32xf32, #tpu.memory_space<hbm>>)
    return
  }
}

</mosaic_0001>

<sc_bundles>
// kernel: kernel.3.cloned.1.call-start
scs
__scs_entry_jumppad:
0x0: {  	(pc) =	sbr.rel $0x88, $3  }
0x1: {  	(tag) =	ssettag $0x0;
	lr =	simm.s32 $0x1  }
0x2: {  	[smem:$0x3F9F] =	sst lr;
	_ =	strace $0xD0000000  }
0x3: {  	_ = 	snop  }
0x4: {  	_ = 	snop  }
0x5: {  	_ = 	snop  }
0x6: {  	_ = 	snop  }
0x7: {  	_ = 	snop  }
__scs_overlays_trampoline_lowered:
0x8: {  	[smem:$0x3FAE] =	sst s0  }
0x9: {  	[smem:$0x3FAF] =	sst s1  }
0xa: {  	[smem:$0x3FB0] =	sst s2  }
0xb: {  	[smem:$0x3FB1] =	sst s3  }
0xc: {  	[smem:$0x3FB2] =	sst s4  }
0xd: {  	[smem:$0x3FB3] =	sst s5  }
0xe: {  	[smem:$0x3FB4] =	sst s6  }
0xf: {  	[smem:$0x3FB5] =	sst s7  }
0x10: {  	[smem:$0x3FB6] =	sst s8  }
0x11: {  	[smem:$0x3FB7] =	sst s9;
	s0 =	simm.s32 @!p0 $0x0  }
0x12: {  	s1 =	sld [smem:$0x3F9D];
	s0 =	simm.s32 @p0 $0x1  }
0x13: {  	[smem:$0x3FB8] =	sst s0;
	s0 =	simm.s32 @!p1 $0x0  }
0x14: {  	s2 =	sld [smem:$0x3F9C];
	s0 =	simm.s32 @p1 $0x1  }
0x15: {  	[smem:$0x3FB9] =	sst s0;
	s0 =	simm.s32 @!p2 $0x0  }
0x16: {  	s3 =	sld [smem:$0x3FDB];
	s0 =	simm.s32 @p2 $0x1  }
0x17: {  	s4 =	simm.s32 $0x1BF5;
	[smem:$0x3FBB] =	sst s0  }
0x18: {  	s0 =	sld [smem:$0x3F9E];
	_ =	swait.ge [sflag:s4], $0x0  }
0x19: {  	s7 =	sld [smem:$0x3F9F]  }
0x1a: {  	s8 =	sadd.s32 $0xFFFFE003, lr  }
0x1b: {  	s9 =	sadd.s32 $0xFFFFFEF7, lr;
	s5 =	simm.s32 $0xFFFFFFFF;
	p2 =	slt.u32 s8, $0xFFFFF086  }
0x1c: {  	p1 =	slt.u32 s9, $0xF7A;
	s5 =	simm.s32 @!p2 $0x0  }
0x1d: {  	s5 =	simm.s32 @p1 $0x1;
	p0 =	seq.s32 s7, s2  }
0x1e: {  	s7 =	smul.u32 @!p0 $0xF7A, s2;
	p2 =	seq.s32 @!p0 s5, $0x0  }
0x1f: {  	s9 =	smul.u32 $0xF7A, s1;
	s8 =	simm.s32 @!p0 $0x1BF5;
	p2 =	por !p2, p0  }
0x20: {  	[sflag:s8] =	ssyncset.s32 @!p0 $0xFFFFF086;
	s6 =	sadd.s32 @!p0 s3, s7;
	s7 =	simm.s32 @!p0 $0x108  }
0x21: {  	s3 =	sadd.s32 s3, s9;
	s6 =	sadd.s32 @!p0 $0x88, s6;
	s7 =	simm.s32 @p2 $0x1082  }
0x22: {  	[simem:s7], [sflag:s8] =	dma.local @!p0 [hbm:s6], $0xF7A  }
0x23: {  	s9 =	sor.u32 $0xD0000000, s2;
	s6 =	simm.s32 $0x108;
	_ =	swait.ge @!p0 [sflag:s8], $0x0  }
0x24: {  	s3 =	sadd.s32 $0x88, s3;
	s6 =	simm.s32 @!p1 $0x1082;
	[sflag:s4] =	ssyncset.s32 $0xFFFFF086  }
0x25: {  	[simem:s6], [sflag:s4] =	dma.local [hbm:s3], $0xF7A  }
0x26: {  	[smem:$0x3F9F] =	sst s1;
	(tag) =	ssettag s2;
	_ =	strace s9  }
0x27: {  	s1 =	sld [smem:$0x3FAF]  }
0x28: {  	s2 =	sld [smem:$0x3FB0]  }
0x29: {  	s4 =	sld [smem:$0x3FB2]  }
0x2a: {  	p0 =	seq.s32 s5, $0x0;
	s5 =	sld [smem:$0x3FB3]  }
0x2b: {  	s6 =	sld [smem:$0x3FB4]  }
0x2c: {  	s7 =	sld [smem:$0x3FB5]  }
0x2d: {  	s3 =	simm.s32 $0x108;
	s8 =	sld [smem:$0x3FB6]  }
0x2e: {  	s3 =	simm.s32 @!p0 $0x1082;
	s9 =	sld [smem:$0x3FB7]  }
0x2f: {  	lr =	sadd.s32 s0, s3;
	s0 =	sld [smem:$0x3FAE]  }
0x30: {  	s3 =	sld [smem:$0x3FB1]  }
0x31: {  	[smem:$0x3FBA] =	sst s10  }
0x32: {  	s10 =	sld [smem:$0x3FB8];
	_ =	sdelay $0x3  }
0x33: {  	p0 =	seq.s32 s10, $0x1;
	s10 =	sld [smem:$0x3FBA];
	_ =	sdelay $0x3  }
0x34: {  	[smem:$0x3FBA] =	sst s10  }
0x35: {  	s10 =	sld [smem:$0x3FB9];
	_ =	sdelay $0x3  }
0x36: {  	p1 =	seq.s32 s10, $0x1;
	s10 =	sld [smem:$0x3FBA];
	_ =	sdelay $0x3  }
0x37: {  	[smem:$0x3FBA] =	sst s10  }
0x38: {  	s10 =	sld [smem:$0x3FBB]  }
0x39: {  	_ = 	snop;
	(pc) =	sbr.ind lr, $3  }
0x3a: {  	_ = 	snop  }
0x3b: {  	_ = 	snop  }
0x3c: {  	p2 =	seq.s32 s10, $0x1;
	s10 =	sld [smem:$0x3FBA]  }
0x3d: {  	_ =	shalt  }
0x3e: {  	_ =	shalt  }
0x3f: {  	_ =	shalt  }
0x40: {  	_ =	shalt  }
0x41: {  	_ =	shalt  }
0x42: {  	_ =	shalt  }
0x43: {  	_ =	shalt  }
0x44: {  	_ =	shalt  }
0x45: {  	_ =	shalt  }
0x46: {  	_ =	shalt  }
0x47: {  	_ =	shalt  }
0x48: {  	_ =	shalt  }
0x49: {  	_ =	shalt  }
0x4a: {  	_ =	shalt  }
0x4b: {  	_ =	shalt  }
0x4c: {  	_ =	shalt  }
0x4d: {  	_ =	shalt  }
0x4e: {  	_ =	shalt  }
0x4f: {  	_ =	shalt  }
0x50: {  	_ =	shalt  }
0x51: {  	_ =	shalt  }
0x52: {  	_ =	shalt  }
0x53: {  	_ =	shalt  }
0x54: {  	_ =	shalt  }
0x55: {  	_ =	shalt  }
0x56: {  	_ =	shalt  }
0x57: {  	_ =	shalt  }
0x58: {  	_ =	shalt  }
0x59: {  	_ =	shalt  }
0x5a: {  	_ =	shalt  }
0x5b: {  	_ =	shalt  }
0x5c: {  	_ =	shalt  }
0x5d: {  	_ =	shalt  }
0x5e: {  	_ =	shalt  }
0x5f: {  	_ =	shalt  }
0x60: {  	_ =	shalt  }
0x61: {  	_ =	shalt  }
0x62: {  	_ =	shalt  }
0x63: {  	_ =	shalt  }
0x64: {  	_ =	shalt  }
0x65: {  	_ =	shalt  }
0x66: {  	_ =	shalt  }
0x67: {  	_ =	shalt  }
0x68: {  	_ =	shalt  }
0x69: {  	_ =	shalt  }
0x6a: {  	_ =	shalt  }
0x6b: {  	_ =	shalt  }
0x6c: {  	_ =	shalt  }
0x6d: {  	_ =	shalt  }
0x6e: {  	_ =	shalt  }
0x6f: {  	_ =	shalt  }
0x70: {  	_ =	shalt  }
0x71: {  	_ =	shalt  }
0x72: {  	_ =	shalt  }
0x73: {  	_ =	shalt  }
0x74: {  	_ =	shalt  }
0x75: {  	_ =	shalt  }
0x76: {  	_ =	shalt  }
0x77: {  	_ =	shalt  }
0x78: {  	_ =	shalt  }
0x79: {  	_ =	shalt  }
0x7a: {  	_ =	shalt  }
0x7b: {  	_ =	shalt  }
0x7c: {  	_ =	shalt  }
0x7d: {  	_ =	shalt  }
0x7e: {  	_ =	shalt  }
0x7f: {  	_ =	shalt  }
0x80: {  	_ =	shalt  }
0x81: {  	_ =	shalt  }
0x82: {  	_ =	shalt  }
0x83: {  	_ =	shalt  }
0x84: {  	_ =	shalt  }
0x85: {  	_ =	shalt  }
0x86: {  	_ =	shalt  }
0x87: {  	_ =	shalt  }
.Lfunc_end0:
.L_simem_size_0:
called_computation.2_lowered:
.L_overlay_start_0:
0x88: {  	s2 =	sld [smem:$0x3FD9]  }
0x89: {  	s3 =	sld [smem:$0x3FFE];
	_ =	sdelay $0x1  }
0x8a: {  	s1 =	srdreg.scid  }
0x8b: {  	s0 =	sand.u32 $0x1, s1  }
0x8c: {  	s17 =	sshll.u32 s0, $0xA;
	s2 =	sadd.s32 s3, s2  }
0x8d: {  	s2 =	sadd.s32 s2, s17  }
0x8e: {  	[smem:$0x3FC6] =	sst s2  }
0x8f: {  	_ = 	snop  }
0x90: {  	s2 =	sld [smem:$0x3FD0];
	(tm) =	ssettm $0x1  }
0x91: {  	s18 =	sld [smem:$0x3FFB];
	_ =	sdelay $0x3  }
0x92: {  	_ =	strace s18  }
0x93: {  	s3 =	sld [smem:$0x3FFC];
	_ =	sdelay $0x3  }
0x94: {  	_ =	strace s3  }
0x95: {  	s3 =	sld [smem:$0x3FFD];
	_ =	sdelay $0x3  }
0x96: {  	_ =	strace s3  }
0x97: {  	_ =	strace $0x8FFFFFFF  }
0x98: {  	s19 =	sld [smem:$0x3FDB];
	_ =	sdelay $0x1  }
0x99: {  	s4 =	simm.s32 $_scs_section_size  }
0x9a: {  	s5 =	simm.s32 $_size__tile_overlayer_lowered;
	s6 =	simm.s32 $_tile_overlayer_lowered  }
0x9b: {  	s22 =	simm.s32 $0x1BFF;
	s21 =	sshll.u32 s6, $0x1;
	s3 =	sadd.s32 s4, s19  }
0x9c: {  	s7 =	simm.s32 $0x0;
	s20 =	sshll.u32 s5, $0x1;
	s5 =	sadd.s32 s21, s3  }
0x9d: {  	[timem:s7], [sflag:s22] =	dma.local [hbm:s5], s20  }
0x9e: {  	_ =	swait.ge [sflag:s22], s20  }
0x9f: {  	s4 =	ssub.s32 $0x0, s20;
	[sflag:s22] =	ssyncset.done $0x0  }
0xa0: {  	[sflag:s22] =	ssyncadd.s32 s4;
	_ =	sdelay $0x1  }
0xa1: {  	s23 =	simm.s32 $0x1B8B  }
0xa2: {  	_ =	swait.ge [sflag:s23], $0x1  }
0xa3: {  	[sflag:s23] =	ssyncset.done $0x0  }
0xa4: {  	s25 =	simm.s32 $0x1B8E;
	s24 =	sld [smem:$0x3FFE];
	[sflag:s23] =	ssyncadd.s32 $0xFFFFFFFF  }
0xa5: {  	s26 =	simm.s32 $execute0_lowered;
	[smem:$0x3FD2] =	sst s25  }
0xa6: {  	s5 =	sshll.u32 s26, $0x1;
	_ =	strace $0x80000046;
	[dreg:$0x1] =	wrdreg $0xFFFFFFFF  }
0xa7: {  	s28 =	simm.s32 $_size_execute0_lowered;
	s3 =	sadd.s32 s3, s5;
	[dreg:$0x0] =	wrdreg $0x0  }
0xa8: {  	s5 =	sshll.u32 s28, $0x1;
	[dreg:$0x2] =	wrdreg s3  }
0xa9: {  	[dreg:$0x3] =	wrdreg s5  }
0xaa: {  	[dreg:$0x4] =	wrdreg $0xC0  }
0xab: {  	_ =	task [dreg:s7], $0x5FFFF  }
0xac: {  	[dreg:$0x1] =	wrdreg $0xFFFFFFFF  }
0xad: {  	[dreg:$0x0] =	wrdreg $0x60  }
0xae: {  	[dreg:$0x2] =	wrdreg s24  }
0xaf: {  	[dreg:$0x3] =	wrdreg s2  }
0xb0: {  	[dreg:$0x4] =	wrdreg $0x9  }
0xb1: {  	_ =	task.clear_ibuf [dreg:s7], $0x5FFFF;
	_ =	strace $0x90000046  }
0xb2: {  	s29 =	simm.s32 $0x9;
	_ =	strace $0x80000048  }
0xb3: {  	_ =	swait.ge [sflag:s29], $0x1  }
0xb4: {  	[sflag:s29] =	ssyncadd.s32 $0xFFFFFFFF  }
0xb5: {  	_ =	strace $0x90000048  }
0xb6: {  	_ =	sfence  }
0xb7: {  	s30 =	sld [smem:$0x0];
	_ =	sdelay $0x2  }
0xb8: {  	s31 =	sshll.u32 s1, $0xD;
	s1 =	sshrl.u32 s1, $0x2  }
0xb9: {  	s3 =	sand.u32 $0x4000, s31;
	s1 =	sadd.s32 s1, s30  }
0xba: {  	s0 =	sor.u32 s3, s0;
	s1 =	sshll.u32 s1, $0x11  }
0xbb: {  	s0 =	sor.u32 s1, s0  }
0xbc: {  	s0 =	sadd.s32 $0x8F2B, s0  }
0xbd: {  	[sflag:s0] =	ssyncadd.remote.s32 $0x1  }
0xbe: {  	_ =	sfence.sel $0xFFFF  }
0xbf: {  	[dreg:$0x0] =	wrdreg $0xFFFFFFFF;
	(pc) =	sbr.abs _section_cstart, $3  }
0xc0: {  	[dreg:$0x1] =	wrdreg $0xFFFFFFFF  }
0xc1: {  	_ =	task.clear_ibuf [dreg:s7], $0x2FFFF;
	_ =	strace $0x9FFFFFFF  }
0xc2: {  	(tm) =	ssettm $0x7FFFFFFF  }
0xc3: {  	_ =	shalt  }
tec
execute0_lowered:
.L_overlay_start_1:
0x0: {  	(tag) =	ssettag $0x1  }
0x1: {  	s1 =	rddreg [dreg:$0x0];
	s2 =	srdreg.scid  }
0x2: {  	s11 =	stileid.u32;
	s0 =	rddreg [dreg:$0x1];
	s28 =	simm.s32 $0xC80  }
0x3: {  	s29 =	simm.s32 $0x2;
	s30 =	simm.s32 $0x7080;
	s31 =	simm.s32 $0x640  }
0x4: {  	s4 =	sand.u32 $0x1, s2;
	s3 =	sshll.u32 s11, $0x1;
	s11 =	smul.u32 $0xC800, s11  }
0x5: {  	s5 =	sor.u32 s4, s3;
	s13 =	ssub.s32 $0x2, s4;
	s4 =	smul.u32 $0x6400, s4  }
0x6: {  	s2 =	simm.s32 $0x0;
	s7 =	sadd.s32 $0xC00, s1;
	s6 =	smul.u32 $0x6400, s5  }
0x7: {  	[smem:$0x7FF] =	sst s2;
	s3 =	sadd.s32 $0x19C00, s1;
	s14 =	smul.u32 $0xC8000, s5  }
0x8: {  	_ =	strace $0x80000047;
	s9 =	sshrl.u32 s13, $0x1;
	s5 =	smul.u32 $0x19000, s5  }
0x9: {  	s1 =	ssub.s32 s13, s9;
	s4 =	sadd.s32 s4, s11;
	s11 =	simm.s32 $0xA  }
0xa: {  	s8 =	sshrl.u32 s6, $0x3;
	s5 =	sadd.s32 s0, s5;
	s19 =	sadd.s32 $0x5AA0, s6  }
0xb: {  	s24 =	sadd.s32 $0x5DC0, s6;
	s6 =	sadd.s32 $0x60E0, s6;
	s1 =	smax.u32 s1, $0x1  }
0xc: {  	s10 =	sadd.s32 s7, s8;
	s8 =	sshrl.u32 s14, $0x3;
	[dreg:$0xb] =	wrdreg s5  }
0xd: {  	s22 =	sshrl.u32 s19, $0x3;
	s25 =	sshrl.u32 s24, $0x3;
	s26 =	sshrl.u32 s6, $0x3  }
0xe: {  	s13 =	sshll.u32 s19, $0x2;
	s14 =	sshll.u32 s24, $0x2;
	[dreg:$0x17] =	wrdreg s1  }
0xf: {  	s6 =	sshll.u32 s6, $0x2;
	s15 =	sadd.s32 $0x64, s10;
	[dreg:$0x7] =	wrdreg s10  }
0x10: {  	s16 =	sadd.s32 $0xC8, s10;
	s17 =	sadd.s32 $0x12C, s10;
	[dreg:$0x8] =	wrdreg s15  }
0x11: {  	s18 =	sadd.s32 s0, s8;
	s20 =	sadd.s32 $0x190, s10;
	[dreg:$0x9] =	wrdreg s16  }
0x12: {  	s9 =	sadd.s32 s7, s22;
	s10 =	sadd.s32 s7, s25;
	[dreg:$0xa] =	wrdreg s17  }
0x13: {  	s6 =	sadd.s32 s0, s6;
	s22 =	sshll.u32 s4, $0x2;
	[dreg:$0xc] =	wrdreg s20  }
0x14: {  	s8 =	simm.s32 $0x5;
	s21 =	sadd.s32 $0x13880, s18;
	[dreg:$0xe] =	wrdreg s9  }
0x15: {  	s23 =	sadd.s32 $0x14500, s18;
	[dreg:$0x10] =	wrdreg s10;
	s12 =	sadd.s32 $0x15180, s18  }
0x16: {  	s10 =	sadd.s32 s7, s26;
	s5 =	sadd.s32 $0x15E00, s18;
	[dreg:$0x16] =	wrdreg s6  }
0x17: {  	s15 =	sadd.s32 s0, s14;
	s16 =	sadd.s32 $0x1900, s4;
	[dreg:$0xd] =	wrdreg s21  }
0x18: {  	s17 =	sadd.s32 $0x15E0, s4;
	s20 =	sadd.s32 $0x12C0, s4;
	[dreg:$0xf] =	wrdreg s23  }
0x19: {  	s4 =	sadd.s32 $0xFA0, s4;
	s24 =	sadd.s32 $0x20001900, s22;
	[dreg:$0x11] =	wrdreg s12  }
0x1a: {  	s6 =	simm.s32 $0x4;
	s9 =	simm.s32 $0x9;
	[dreg:$0x12] =	wrdreg s10  }
0x1b: {  	s14 =	simm.s32 $0x8;
	[dreg:$0x13] =	wrdreg s5;
	s5 =	sadd.s32 s0, s13  }
0x1c: {  	[dreg:$0x15] =	wrdreg s15;
	s18 =	sshrl.u32 s17, $0x3;
	s21 =	sshrl.u32 s20, $0x3  }
0x1d: {  	s23 =	sadd.s32 $0x20002580, s22;
	s4 =	sshrl.u32 s4, $0x3;
	s25 =	sand.u32 $0xFFF900, s24  }
0x1e: {  	s10 =	simm.s32 $0x6;
	s12 =	simm.s32 $0x7;
	s13 =	simm.s32 $0xB  }
0x1f: {  	s15 =	simm.s32 $0xC;
	[dreg:$0x14] =	wrdreg s5;
	s19 =	sadd.s32 s18, s7  }
0x20: {  	s5 =	sshrl.u32 s16, $0x3;
	s1 =	sadd.s32 s21, s7;
	[dreg:$0x4] =	wrdreg s19  }
0x21: {  	s4 =	sadd.s32 s4, s7;
	s16 =	simm.s32 $0x0;
	[dreg:$0x5] =	wrdreg s1  }
0x22: {  	s5 =	sadd.s32 s5, s7;
	s1 =	sand.u32 $0xFFF580, s23;
	[dreg:$0x6] =	wrdreg s4  }
0x23: {  	s7 =	simm.s32 $0x13880;
	[dreg:$0x3] =	wrdreg s5;
	s1 =	sadd.s32 s1, s0  }
0x24: {  	s5 =	sadd.s32 s0, s22;
	s0 =	sadd.s32 s25, s0;
	[dreg:$0x18] =	wrdreg s1  }
0x25: {  	s25 =	simm.s32 $0x1;
	[dreg:$0x19] =	wrdreg s0;
	s26 =	sadd.s32 $0xC80, s5  }
0x26: {  	s24 =	sadd.s32 $0x3200, s5;
	s1 =	simm.s32 $0x3;
	s0 =	simm.s32 $0xD480  }
0x27: {  	s5 =	simm.s32 $0x960;
	[dreg:$0x1a] =	wrdreg s26;
	s26 =	simm.s32 $0x320  }
.LBB2_1:
0x28: {  	s4 =	rddreg [dreg:$0x7]  }
0x29: {  	[tilespmem:s2], [sflag:$0x1] =	stream.linear.gather [hbm4b:s4+s2], $0x320, $0x38;
	[tilespmem:$0x19C80] =	vst v63  }
0x2a: {  	_ =	swait.ge [sflag:s25], $0x320  }
0x2b: {  	[sflag:s25] =	ssyncset.done $0x0  }
0x2c: {  	[sflag:s25] =	ssyncadd.s32 $0xFFFFFCE0  }
0x2d: {  	[tilespmem:s28], [sflag:$0x5] =	stream.indirect.gather [hbm4b:s3+s26], $0x20, s2, s26, $0xb8;
	[tilespmem:$0x19C80] =	vst v63  }
0x2e: {  	s21 =	rddreg [dreg:$0x8]  }
0x2f: {  	[tilespmem:s26], [sflag:$0x2] =	stream.linear.gather [hbm4b:s21+s2], $0x320, $0x38;
	[tilespmem:$0x19C80] =	vst v63  }
0x30: {  	_ =	swait.ge [sflag:s29], $0x320  }
0x31: {  	[sflag:s29] =	ssyncset.done $0x0  }
0x32: {  	[sflag:s29] =	ssyncadd.s32 $0xFFFFFCE0  }
0x33: {  	[tilespmem:s30], [sflag:$0x6] =	stream.indirect.gather [hbm4b:s3+s26], $0x20, s26, s26, $0xb8;
	[tilespmem:$0x19C80] =	vst v63  }
0x34: {  	s22 =	rddreg [dreg:$0x9]  }
0x35: {  	[tilespmem:s31], [sflag:$0x3] =	stream.linear.gather [hbm4b:s22+s2], $0x320, $0x38;
	[tilespmem:$0x19C80] =	vst v63  }
0x36: {  	_ =	swait.ge [sflag:s1], $0x320  }
0x37: {  	[sflag:s1] =	ssyncset.done $0x0  }
0x38: {  	[sflag:s1] =	ssyncadd.s32 $0xFFFFFCE0  }
0x39: {  	[tilespmem:s0], [sflag:$0x7] =	stream.indirect.gather [hbm4b:s3+s26], $0x20, s31, s26, $0xb8;
	[tilespmem:$0x19C80] =	vst v63  }
0x3a: {  	s23 =	rddreg [dreg:$0xa]  }
0x3b: {  	[tilespmem:s5], [sflag:$0x4] =	stream.linear.gather [hbm4b:s23+s2], $0x320, $0x38;
	[tilespmem:$0x19C80] =	vst v63  }
0x3c: {  	_ =	swait.ge [sflag:s6], $0x320  }
0x3d: {  	[sflag:s6] =	ssyncset.done $0x0  }
0x3e: {  	[sflag:s6] =	ssyncadd.s32 $0xFFFFFCE0  }
0x3f: {  	[tilespmem:s7], [sflag:$0x8] =	stream.indirect.gather [hbm4b:s3+s26], $0x20, s5, s26, $0xb8;
	[tilespmem:$0x19C80] =	vst v63  }
0x40: {  	_ =	swait.ge [sflag:s8], $0x6400  }
0x41: {  	[sflag:s8] =	ssyncset.done $0x0  }
0x42: {  	s17 =	rddreg [dreg:$0xb];
	[sflag:s8] =	ssyncadd.s32 $0xFFFF9C00  }
0x43: {  	[hbm4b:s17+s2] =	stream.linear.scatter [tilespmem:s28], [sflag:$0x9], $0x6400, $0x38;
	[tilespmem:$0x19C80] =	vst v63  }
0x44: {  	s18 =	rddreg [dreg:$0xc]  }
0x45: {  	[tilespmem:s2], [sflag:$0x1] =	stream.linear.gather [hbm4b:s18+s2], $0x320, $0x38;
	[tilespmem:$0x19C80] =	vst v63  }
0x46: {  	_ =	swait.ge [sflag:s25], $0x320  }
0x47: {  	[sflag:s25] =	ssyncset.done $0x0  }
0x48: {  	[sflag:s25] =	ssyncadd.s32 $0xFFFFFCE0  }
0x49: {  	_ =	swait.ge [sflag:s9], $0x6400  }
0x4a: {  	[sflag:s9] =	ssyncset.done $0x0  }
0x4b: {  	[sflag:s9] =	ssyncadd.s32 $0xFFFF9C00  }
0x4c: {  	[tilespmem:s28], [sflag:$0x5] =	stream.indirect.gather [hbm4b:s3+s26], $0x20, s2, s26, $0xb8;
	[tilespmem:$0x19C80] =	vst v63  }
0x4d: {  	_ =	swait.ge [sflag:s10], $0x6400  }
0x4e: {  	[sflag:s10] =	ssyncset.done $0x0;
	s19 =	rddreg [dreg:$0x6]  }
0x4f: {  	s18 =	rddreg [dreg:$0x1a];
	[sflag:s10] =	ssyncadd.s32 $0xFFFF9C00  }
0x50: {  	[hbm4b:s18+s2] =	stream.linear.scatter [tilespmem:s30], [sflag:$0xA], $0x6400, $0x38;
	[tilespmem:$0x19C80] =	vst v63  }
0x51: {  	s4 =	sadd.s32 $0x0, s19  }
0x52: {  	[tilespmem:s26], [sflag:$0x2] =	stream.linear.gather [hbm4b:s4+s2], $0x320, $0x38;
	[tilespmem:$0x19C80] =	vst v63  }
0x53: {  	_ =	swait.ge [sflag:s29], $0x320  }
0x54: {  	[sflag:s29] =	ssyncset.done $0x0  }
0x55: {  	[sflag:s29] =	ssyncadd.s32 $0xFFFFFCE0  }
0x56: {  	_ =	swait.ge [sflag:s11], $0x6400  }
0x57: {  	[sflag:s11] =	ssyncset.done $0x0  }
0x58: {  	[sflag:s11] =	ssyncadd.s32 $0xFFFF9C00  }
0x59: {  	[tilespmem:s30], [sflag:$0x6] =	stream.indirect.gather [hbm4b:s3+s26], $0x20, s26, s26, $0xb8;
	[tilespmem:$0x19C80] =	vst v63  }
0x5a: {  	_ =	swait.ge [sflag:s12], $0x6400  }
0x5b: {  	[sflag:s12] =	ssyncset.done $0x0;
	s20 =	rddreg [dreg:$0x5]  }
0x5c: {  	s22 =	rddreg [dreg:$0x19];
	[sflag:s12] =	ssyncadd.s32 $0xFFFF9C00  }
0x5d: {  	[hbm4b:s22+s2] =	stream.linear.scatter [tilespmem:s0], [sflag:$0xB], $0x6400, $0x38;
	[tilespmem:$0x19C80] =	vst v63  }
0x5e: {  	s4 =	sadd.s32 $0x0, s20  }
0x5f: {  	[tilespmem:s31], [sflag:$0x3] =	stream.linear.gather [hbm4b:s4+s2], $0x320, $0x38;
	[tilespmem:$0x19C80] =	vst v63  }
0x60: {  	_ =	swait.ge [sflag:s1], $0x320  }
0x61: {  	[sflag:s1] =	ssyncset.done $0x0  }
0x62: {  	[sflag:s1] =	ssyncadd.s32 $0xFFFFFCE0  }
0x63: {  	_ =	swait.ge [sflag:s13], $0x6400  }
0x64: {  	[sflag:s13] =	ssyncset.done $0x0  }
0x65: {  	[sflag:s13] =	ssyncadd.s32 $0xFFFF9C00  }
0x66: {  	[tilespmem:s0], [sflag:$0x7] =	stream.indirect.gather [hbm4b:s3+s26], $0x20, s31, s26, $0xb8;
	[tilespmem:$0x19C80] =	vst v63  }
0x67: {  	_ =	swait.ge [sflag:s14], $0x6400  }
0x68: {  	[sflag:s14] =	ssyncset.done $0x0;
	s21 =	rddreg [dreg:$0x4]  }
0x69: {  	s20 =	rddreg [dreg:$0x18];
	[sflag:s14] =	ssyncadd.s32 $0xFFFF9C00  }
0x6a: {  	[hbm4b:s20+s2] =	stream.linear.scatter [tilespmem:s7], [sflag:$0xC], $0x6400, $0x38;
	[tilespmem:$0x19C80] =	vst v63  }
0x6b: {  	s4 =	sadd.s32 $0x0, s21  }
0x6c: {  	[tilespmem:s5], [sflag:$0x4] =	stream.linear.gather [hbm4b:s4+s2], $0x320, $0x38;
	[tilespmem:$0x19C80] =	vst v63  }
0x6d: {  	_ =	swait.ge [sflag:s6], $0x320  }
0x6e: {  	[sflag:s6] =	ssyncset.done $0x0  }
0x6f: {  	[sflag:s6] =	ssyncadd.s32 $0xFFFFFCE0  }
0x70: {  	_ =	swait.ge [sflag:s15], $0x6400  }
0x71: {  	[sflag:s15] =	ssyncset.done $0x0  }
0x72: {  	s17 =	simm.s32 $0x190;
	[sflag:s15] =	ssyncadd.s32 $0xFFFF9C00  }
0x73: {  	[tilespmem:s7], [sflag:$0x8] =	stream.indirect.gather [hbm4b:s3+s26], $0x20, s5, s26, $0xb8;
	[tilespmem:$0x19C80] =	vst v63  }
0x74: {  	s19 =	sadd.s32 $0x3200, s24;
	s18 =	sadd.s32 $0x3200, s18;
	_ =	swait.ge [sflag:s8], $0x6400  }
0x75: {  	s20 =	sadd.s32 $0x3200, s20;
	[sflag:s8] =	ssyncset.done $0x0;
	s23 =	rddreg [dreg:$0x3]  }
0x76: {  	s4 =	sadd.s32 $0x3200, s22;
	[sflag:s8] =	ssyncadd.s32 $0xFFFF9C00;
	s21 =	sadd.s32 $0x0, s23  }
0x77: {  	[hbm4b:s24+s2] =	stream.linear.scatter [tilespmem:s28], [sflag:$0x9], $0x6400, $0x38;
	[tilespmem:$0x19C80] =	vst v63  }
.LBB2_2:
0x78: {  	[tilespmem:s2], [sflag:$0x1] =	stream.linear.gather [hbm4b:s21+s2], $0x320, $0x38;
	[tilespmem:$0x19C80] =	vst v63  }
0x79: {  	_ =	swait.ge [sflag:s25], $0x320  }
0x7a: {  	[sflag:s25] =	ssyncset.done $0x0  }
0x7b: {  	[sflag:s25] =	ssyncadd.s32 $0xFFFFFCE0  }
0x7c: {  	_ =	swait.ge [sflag:s9], $0x6400  }
0x7d: {  	[sflag:s9] =	ssyncset.done $0x0  }
0x7e: {  	[sflag:s9] =	ssyncadd.s32 $0xFFFF9C00  }
0x7f: {  	[tilespmem:s28], [sflag:$0x5] =	stream.indirect.gather [hbm4b:s3+s26], $0x20, s2, s26, $0xb8;
	[tilespmem:$0x19C80] =	vst v63  }
0x80: {  	_ =	swait.ge [sflag:s10], $0x6400  }
0x81: {  	[sflag:s10] =	ssyncset.done $0x0  }
0x82: {  	s21 =	smov.u32 s17;
	s23 =	rddreg [dreg:$0x6];
	[sflag:s10] =	ssyncadd.s32 $0xFFFF9C00  }
0x83: {  	[hbm4b:s18+s2] =	stream.linear.scatter [tilespmem:s30], [sflag:$0xA], $0x6400, $0x38;
	[tilespmem:$0x19C80] =	vst v63  }
0x84: {  	s23 =	sadd.s32 s21, s23  }
0x85: {  	[tilespmem:s26], [sflag:$0x2] =	stream.linear.gather [hbm4b:s23+s2], $0x320, $0x38;
	[tilespmem:$0x19C80] =	vst v63  }
0x86: {  	_ =	swait.ge [sflag:s29], $0x320  }
0x87: {  	[sflag:s29] =	ssyncset.done $0x0  }
0x88: {  	[sflag:s29] =	ssyncadd.s32 $0xFFFFFCE0  }
0x89: {  	_ =	swait.ge [sflag:s11], $0x6400  }
0x8a: {  	[sflag:s11] =	ssyncset.done $0x0  }
0x8b: {  	[sflag:s11] =	ssyncadd.s32 $0xFFFF9C00  }
0x8c: {  	[tilespmem:s30], [sflag:$0x6] =	stream.indirect.gather [hbm4b:s3+s26], $0x20, s26, s26, $0xb8;
	[tilespmem:$0x19C80] =	vst v63  }
0x8d: {  	_ =	swait.ge [sflag:s12], $0x6400  }
0x8e: {  	[sflag:s12] =	ssyncset.done $0x0  }
0x8f: {  	s23 =	rddreg [dreg:$0x5];
	[sflag:s12] =	ssyncadd.s32 $0xFFFF9C00  }
0x90: {  	[hbm4b:s4+s2] =	stream.linear.scatter [tilespmem:s0], [sflag:$0xB], $0x6400, $0x38;
	[tilespmem:$0x19C80] =	vst v63  }
0x91: {  	s23 =	sadd.s32 s21, s23  }
0x92: {  	[tilespmem:s31], [sflag:$0x3] =	stream.linear.gather [hbm4b:s23+s2], $0x320, $0x38;
	[tilespmem:$0x19C80] =	vst v63  }
0x93: {  	_ =	swait.ge [sflag:s1], $0x320  }
0x94: {  	[sflag:s1] =	ssyncset.done $0x0  }
0x95: {  	[sflag:s1] =	ssyncadd.s32 $0xFFFFFCE0  }
0x96: {  	_ =	swait.ge [sflag:s13], $0x6400  }
0x97: {  	[sflag:s13] =	ssyncset.done $0x0  }
0x98: {  	[sflag:s13] =	ssyncadd.s32 $0xFFFF9C00  }
0x99: {  	[tilespmem:s0], [sflag:$0x7] =	stream.indirect.gather [hbm4b:s3+s26], $0x20, s31, s26, $0xb8;
	[tilespmem:$0x19C80] =	vst v63  }
0x9a: {  	_ =	swait.ge [sflag:s14], $0x6400  }
0x9b: {  	[sflag:s14] =	ssyncset.done $0x0  }
0x9c: {  	s23 =	rddreg [dreg:$0x4];
	[sflag:s14] =	ssyncadd.s32 $0xFFFF9C00  }
0x9d: {  	[hbm4b:s20+s2] =	stream.linear.scatter [tilespmem:s7], [sflag:$0xC], $0x6400, $0x38;
	[tilespmem:$0x19C80] =	vst v63  }
0x9e: {  	s23 =	sadd.s32 s21, s23  }
0x9f: {  	[tilespmem:s5], [sflag:$0x4] =	stream.linear.gather [hbm4b:s23+s2], $0x320, $0x38;
	[tilespmem:$0x19C80] =	vst v63  }
0xa0: {  	_ =	swait.ge [sflag:s6], $0x320  }
0xa1: {  	[sflag:s6] =	ssyncset.done $0x0  }
0xa2: {  	[sflag:s6] =	ssyncadd.s32 $0xFFFFFCE0  }
0xa3: {  	_ =	swait.ge [sflag:s15], $0x6400  }
0xa4: {  	[sflag:s15] =	ssyncset.done $0x0  }
0xa5: {  	p0 =	sne.s32 s17, $0x7D0;
	[sflag:s15] =	ssyncadd.s32 $0xFFFF9C00  }
0xa6: {  	[tilespmem:s7], [sflag:$0x8] =	stream.indirect.gather [hbm4b:s3+s26], $0x20, s5, s26, $0xb8;
	[tilespmem:$0x19C80] =	vst v63  }
.Ltmp0:
0xa7: {  	s22 =	smov.u32 s19;
	s17 =	sadd.s32 $0x190, s17;
	(pc) =	sbr.rel @p0 .LBB2_2-.Ltmp0, $4  }
0xa8: {  	s19 =	sadd.s32 $0x3200, s19;
	s18 =	sadd.s32 $0x3200, s18;
	_ =	swait.ge [sflag:s8], $0x6400  }
0xa9: {  	s4 =	sadd.s32 $0x3200, s4;
	[sflag:s8] =	ssyncset.done $0x0;
	s23 =	rddreg [dreg:$0x3]  }
0xaa: {  	s20 =	sadd.s32 $0x3200, s20;
	[sflag:s8] =	ssyncadd.s32 $0xFFFF9C00;
	s21 =	sadd.s32 s21, s23  }
0xab: {  	[hbm4b:s22+s2] =	stream.linear.scatter [tilespmem:s28], [sflag:$0x9], $0x6400, $0x38;
	[tilespmem:$0x19C80] =	vst v63  }
0xac: {  	[tilespmem:s2], [sflag:$0x1] =	stream.linear.gather [hbm4b:s21+s2], $0x320, $0x38;
	[tilespmem:$0x19C80] =	vst v63  }
0xad: {  	_ =	swait.ge [sflag:s25], $0x320  }
0xae: {  	[sflag:s25] =	ssyncset.done $0x0  }
0xaf: {  	[sflag:s25] =	ssyncadd.s32 $0xFFFFFCE0  }
0xb0: {  	_ =	swait.ge [sflag:s9], $0x6400  }
0xb1: {  	[sflag:s9] =	ssyncset.done $0x0  }
0xb2: {  	[sflag:s9] =	ssyncadd.s32 $0xFFFF9C00  }
0xb3: {  	[tilespmem:s28], [sflag:$0x5] =	stream.indirect.gather [hbm4b:s3+s26], $0x20, s2, s26, $0xb8;
	[tilespmem:$0x19C80] =	vst v63  }
0xb4: {  	_ =	swait.ge [sflag:s10], $0x6400  }
0xb5: {  	[sflag:s10] =	ssyncset.done $0x0  }
0xb6: {  	s4 =	rddreg [dreg:$0xd];
	[sflag:s10] =	ssyncadd.s32 $0xFFFF9C00  }
0xb7: {  	[hbm4b:s4+s2] =	stream.linear.scatter [tilespmem:s30], [sflag:$0xA], $0x6400, $0x38;
	[tilespmem:$0x19C80] =	vst v63  }
0xb8: {  	s21 =	rddreg [dreg:$0xe]  }
0xb9: {  	[tilespmem:s26], [sflag:$0x2] =	stream.linear.gather [hbm4b:s21+s2], $0x320, $0x38;
	[tilespmem:$0x19C80] =	vst v63  }
0xba: {  	_ =	swait.ge [sflag:s29], $0x320  }
0xbb: {  	[sflag:s29] =	ssyncset.done $0x0  }
0xbc: {  	[sflag:s29] =	ssyncadd.s32 $0xFFFFFCE0  }
0xbd: {  	_ =	swait.ge [sflag:s11], $0x6400  }
0xbe: {  	[sflag:s11] =	ssyncset.done $0x0  }
0xbf: {  	[sflag:s11] =	ssyncadd.s32 $0xFFFF9C00  }
0xc0: {  	[tilespmem:s30], [sflag:$0x6] =	stream.indirect.gather [hbm4b:s3+s26], $0x20, s26, s26, $0xb8;
	[tilespmem:$0x19C80] =	vst v63  }
0xc1: {  	_ =	swait.ge [sflag:s12], $0x6400  }
0xc2: {  	[sflag:s12] =	ssyncset.done $0x0  }
0xc3: {  	s22 =	rddreg [dreg:$0xf];
	[sflag:s12] =	ssyncadd.s32 $0xFFFF9C00  }
0xc4: {  	[hbm4b:s22+s2] =	stream.linear.scatter [tilespmem:s0], [sflag:$0xB], $0x6400, $0x38;
	[tilespmem:$0x19C80] =	vst v63  }
0xc5: {  	s23 =	rddreg [dreg:$0x10]  }
0xc6: {  	[tilespmem:s31], [sflag:$0x3] =	stream.linear.gather [hbm4b:s23+s2], $0x320, $0x38;
	[tilespmem:$0x19C80] =	vst v63  }
0xc7: {  	_ =	swait.ge [sflag:s1], $0x320  }
0xc8: {  	[sflag:s1] =	ssyncset.done $0x0  }
0xc9: {  	[sflag:s1] =	ssyncadd.s32 $0xFFFFFCE0  }
0xca: {  	_ =	swait.ge [sflag:s13], $0x6400  }
0xcb: {  	[sflag:s13] =	ssyncset.done $0x0  }
0xcc: {  	[sflag:s13] =	ssyncadd.s32 $0xFFFF9C00  }
0xcd: {  	[tilespmem:s0], [sflag:$0x7] =	stream.indirect.gather [hbm4b:s3+s26], $0x20, s31, s26, $0xb8;
	[tilespmem:$0x19C80] =	vst v63  }
0xce: {  	_ =	swait.ge [sflag:s14], $0x6400  }
0xcf: {  	[sflag:s14] =	ssyncset.done $0x0  }
0xd0: {  	s17 =	rddreg [dreg:$0x11];
	[sflag:s14] =	ssyncadd.s32 $0xFFFF9C00  }
0xd1: {  	[hbm4b:s17+s2] =	stream.linear.scatter [tilespmem:s7], [sflag:$0xC], $0x6400, $0x38;
	[tilespmem:$0x19C80] =	vst v63  }
0xd2: {  	s18 =	rddreg [dreg:$0x12]  }
0xd3: {  	[tilespmem:s5], [sflag:$0x4] =	stream.linear.gather [hbm4b:s18+s2], $0x320, $0x38;
	[tilespmem:$0x19C80] =	vst v63  }
0xd4: {  	_ =	swait.ge [sflag:s6], $0x320  }
0xd5: {  	[sflag:s6] =	ssyncset.done $0x0  }
0xd6: {  	[sflag:s6] =	ssyncadd.s32 $0xFFFFFCE0  }
0xd7: {  	_ =	swait.ge [sflag:s15], $0x6400  }
0xd8: {  	[sflag:s15] =	ssyncset.done $0x0  }
0xd9: {  	[sflag:s15] =	ssyncadd.s32 $0xFFFF9C00  }
0xda: {  	[tilespmem:s7], [sflag:$0x8] =	stream.indirect.gather [hbm4b:s3+s26], $0x20, s5, s26, $0xb8;
	[tilespmem:$0x19C80] =	vst v63  }
0xdb: {  	_ =	swait.ge [sflag:s8], $0x6400  }
0xdc: {  	[sflag:s8] =	ssyncset.done $0x0  }
0xdd: {  	s19 =	rddreg [dreg:$0x13];
	[sflag:s8] =	ssyncadd.s32 $0xFFFF9C00  }
0xde: {  	[hbm4b:s19+s2] =	stream.linear.scatter [tilespmem:s28], [sflag:$0x9], $0x6400, $0x38;
	[tilespmem:$0x19C80] =	vst v63  }
0xdf: {  	_ =	swait.ge [sflag:s10], $0x6400  }
0xe0: {  	[sflag:s10] =	ssyncset.done $0x0  }
0xe1: {  	s20 =	rddreg [dreg:$0x14];
	[sflag:s10] =	ssyncadd.s32 $0xFFFF9C00  }
0xe2: {  	[hbm4b:s20+s2] =	stream.linear.scatter [tilespmem:s30], [sflag:$0xA], $0x6400, $0x38;
	[tilespmem:$0x19C80] =	vst v63  }
0xe3: {  	_ =	swait.ge [sflag:s12], $0x6400  }
0xe4: {  	[sflag:s12] =	ssyncset.done $0x0  }
0xe5: {  	s21 =	rddreg [dreg:$0x15];
	[sflag:s12] =	ssyncadd.s32 $0xFFFF9C00  }
0xe6: {  	[hbm4b:s21+s2] =	stream.linear.scatter [tilespmem:s0], [sflag:$0xB], $0x6400, $0x38;
	[tilespmem:$0x19C80] =	vst v63  }
0xe7: {  	_ =	swait.ge [sflag:s14], $0x6400  }
0xe8: {  	[sflag:s14] =	ssyncset.done $0x0  }
0xe9: {  	s22 =	rddreg [dreg:$0x16];
	[sflag:s14] =	ssyncadd.s32 $0xFFFF9C00  }
0xea: {  	[hbm4b:s22+s2] =	stream.linear.scatter [tilespmem:s7], [sflag:$0xC], $0x6400, $0x38;
	[tilespmem:$0x19C80] =	vst v63  }
0xeb: {  	_ =	swait.ge [sflag:s9], $0x6400  }
0xec: {  	[sflag:s9] =	ssyncset.done $0x0  }
0xed: {  	[sflag:s9] =	ssyncadd.s32 $0xFFFF9C00  }
0xee: {  	_ =	swait.ge [sflag:s11], $0x6400  }
0xef: {  	[sflag:s11] =	ssyncset.done $0x0  }
0xf0: {  	[sflag:s11] =	ssyncadd.s32 $0xFFFF9C00  }
0xf1: {  	_ =	swait.ge [sflag:s13], $0x6400  }
0xf2: {  	[sflag:s13] =	ssyncset.done $0x0  }
0xf3: {  	[sflag:s13] =	ssyncadd.s32 $0xFFFF9C00  }
0xf4: {  	_ =	swait.ge [sflag:s15], $0x6400  }
0xf5: {  	s16 =	sadd.s32 $0x1, s16;
	s23 =	rddreg [dreg:$0x17]  }
0xf6: {  	p0 =	sne.s32 s16, s23  }
.Ltmp1:
0xf7: {  	_ = 	snop;
	(pc) =	sbr.rel @p0 .LBB2_1-.Ltmp1, $3  }
0xf8: {  	_ =	sdelay $0x1  }
0xf9: {  	[sflag:s15] =	ssyncset.done $0x0  }
0xfa: {  	[sflag:s15] =	ssyncadd.s32 $0xFFFF9C00  }
0xfb: {  	_ =	sfence.sel $0x180000  }
0xfc: {  	[bflag:$0x0] =	sbarrier.arrive $0xFFFF  }
0xfd: {  	_ =	strace $0x90000047  }
0xfe: {  	s0 =	stileid.u32;
	[bflag:$0x2] =	sbarrier.arrive $0xFFFF  }
0xff: {  	p0 =	sne.s32 s0, $0x0;
	s0 =	rddreg [dreg:$0x2]  }
0x100: {  	s0 =	sadd.s32 @!p0 $0x100000, s0  }
0x101: {  	[sflag:s0] =	ssyncadd.tile.s32 @!p0 $0x1;
	_ =	shalt  }
.Lfunc_end2:
_tile_overlayer_lowered:
.L_overlay_start_2:
0x102: {  	(tag) =	ssettag $0x2  }
0x103: {  	s0 =	rddreg [dreg:$0x0];
	s2 =	stileid.u32  }
0x104: {  	s1 =	rddreg [dreg:$0x1];
	p0 =	sne.s32 s2, $0x0  }
0x105: {  	s3 =	rddreg [dreg:$0x2];
	[bflag:$0x3] =	sbarrier.arrive $0xFFFF;
	s2 =	simm.s32 @!p0 $0x1C0D  }
0x106: {  	[timem:s3], [sflag:s2] =	dma.local @!p0 [hbm:s0], s1  }
0x107: {  	s0 =	simm.s32 @!p0 $0xD  }
0x108: {  	_ =	swait.ge @!p0 [sflag:s0], s1  }
0x109: {  	s1 =	ssub.s32 @!p0 $0x0, s1;
	[sflag:s0] =	ssyncset.done @!p0 $0x0  }
0x10a: {  	[sflag:s0] =	ssyncadd.s32 @!p0 s1  }
0x10b: {  	[bflag:$0x3] =	sbarrier.arrive $0xFFFF  }
0x10c: {  	_ =	shalt  }

// kernel: sparse-core-data-format-call.1.cloned.1.call-start
scs
called_computation.1_lowered:
.L_overlay_start_0:
0x0: {  	s2 =	sld [smem:$0x3FD9]  }
0x1: {  	s3 =	sld [smem:$0x3FFE];
	_ =	sdelay $0x1  }
0x2: {  	s1 =	srdreg.scid  }
0x3: {  	s0 =	sand.u32 $0x1, s1  }
0x4: {  	s18 =	sshll.u32 s0, $0xA;
	s2 =	sadd.s32 s3, s2  }
0x5: {  	s2 =	sadd.s32 s2, s18  }
0x6: {  	[smem:$0x3FC6] =	sst s2  }
0x7: {  	_ = 	snop  }
0x8: {  	s2 =	sld [smem:$0x3FD0];
	(tm) =	ssettm $0x1  }
0x9: {  	s19 =	sld [smem:$0x3FFB];
	_ =	sdelay $0x3  }
0xa: {  	_ =	strace s19  }
0xb: {  	s3 =	sld [smem:$0x3FFC];
	_ =	sdelay $0x3  }
0xc: {  	_ =	strace s3  }
0xd: {  	s3 =	sld [smem:$0x3FFD];
	_ =	sdelay $0x3  }
0xe: {  	_ =	strace s3  }
0xf: {  	_ =	strace $0x8FFFFFFF  }
0x10: {  	s20 =	sld [smem:$0x3FDB];
	_ =	sdelay $0x1  }
0x11: {  	s4 =	simm.s32 $_scs_section_size  }
0x12: {  	s5 =	simm.s32 $_size__tile_overlayer_lowered;
	s6 =	simm.s32 $_tile_overlayer_lowered  }
0x13: {  	s23 =	simm.s32 $0x1BFF;
	s22 =	sshll.u32 s6, $0x1;
	s3 =	sadd.s32 s4, s20  }
0x14: {  	s7 =	simm.s32 $0x0;
	s21 =	sshll.u32 s5, $0x1;
	s5 =	sadd.s32 s22, s3  }
0x15: {  	[timem:s7], [sflag:s23] =	dma.local [hbm:s5], s21  }
0x16: {  	_ =	swait.ge [sflag:s23], s21  }
0x17: {  	s4 =	ssub.s32 $0x0, s21;
	[sflag:s23] =	ssyncset.done $0x0  }
0x18: {  	[sflag:s23] =	ssyncadd.s32 s4;
	_ =	sdelay $0x1  }
0x19: {  	s24 =	simm.s32 $0x1B8B  }
0x1a: {  	_ =	swait.ge [sflag:s24], $0x1  }
0x1b: {  	[sflag:s24] =	ssyncset.done $0x0  }
0x1c: {  	s26 =	simm.s32 $0x1B8E;
	s25 =	sld [smem:$0x3FFE];
	[sflag:s24] =	ssyncadd.s32 $0xFFFFFFFF  }
0x1d: {  	s27 =	simm.s32 $execute0_lowered;
	[smem:$0x3FD2] =	sst s26  }
0x1e: {  	s5 =	sshll.u32 s27, $0x1;
	_ =	strace $0x80000049;
	[dreg:$0x1] =	wrdreg $0xFFFFFFFF  }
0x1f: {  	s28 =	simm.s32 $_size_execute0_lowered;
	s3 =	sadd.s32 s3, s5;
	[dreg:$0x0] =	wrdreg $0x0  }
0x20: {  	s5 =	sshll.u32 s28, $0x1;
	[dreg:$0x2] =	wrdreg s3  }
0x21: {  	[dreg:$0x3] =	wrdreg s5  }
0x22: {  	[dreg:$0x4] =	wrdreg $0xC0  }
0x23: {  	_ =	task [dreg:s7], $0x5FFFF  }
0x24: {  	[dreg:$0x1] =	wrdreg $0xFFFFFFFF  }
0x25: {  	[dreg:$0x0] =	wrdreg $0x60  }
0x26: {  	[dreg:$0x2] =	wrdreg s25  }
0x27: {  	[dreg:$0x3] =	wrdreg s2  }
0x28: {  	[dreg:$0x4] =	wrdreg $0x9  }
0x29: {  	_ =	task.clear_ibuf [dreg:s7], $0x5FFFF;
	_ =	strace $0x90000049  }
0x2a: {  	s29 =	simm.s32 $0x9;
	_ =	strace $0x8000004B  }
0x2b: {  	_ =	swait.ge [sflag:s29], $0x1  }
0x2c: {  	[sflag:s29] =	ssyncadd.s32 $0xFFFFFFFF  }
0x2d: {  	_ =	strace $0x9000004B  }
0x2e: {  	_ =	sfence  }
0x2f: {  	s30 =	sld [smem:$0x0];
	_ =	sdelay $0x2  }
0x30: {  	s31 =	sshll.u32 s1, $0xD;
	s1 =	sshrl.u32 s1, $0x2  }
0x31: {  	s3 =	sand.u32 $0x4000, s31;
	s1 =	sadd.s32 s1, s30  }
0x32: {  	s0 =	sor.u32 s3, s0;
	s1 =	sshll.u32 s1, $0x11  }
0x33: {  	s0 =	sor.u32 s1, s0  }
0x34: {  	s0 =	sadd.s32 $0x8F2B, s0  }
0x35: {  	[sflag:s0] =	ssyncadd.remote.s32 $0x1  }
0x36: {  	_ =	sfence.sel $0xFFFF  }
0x37: {  	[dreg:$0x0] =	wrdreg $0xFFFFFFFF;
	(pc) =	sbr.abs _section_cstart, $3  }
0x38: {  	[dreg:$0x1] =	wrdreg $0xFFFFFFFF  }
0x39: {  	_ =	task.clear_ibuf [dreg:s7], $0x2FFFF;
	_ =	strace $0x9FFFFFFF  }
0x3a: {  	(tm) =	ssettm $0x7FFFFFFF  }
0x3b: {  	_ =	shalt  }
tec
execute0_lowered:
.L_overlay_start_1:
0x0: {  	(tag) =	ssettag $0x1  }
0x1: {  	s0 =	srdreg.scid  }
0x2: {  	s1 =	sshll.u32 s0, $0x4  }
0x3: {  	s4 =	rddreg [dreg:$0x0];
	s0 =	stileid.u32;
	s1 =	sand.u32 $0x10, s1  }
0x4: {  	s2 =	rddreg [dreg:$0x1];
	s7 =	simm.s32 $0x1;
	s1 =	sor.u32 s0, s1  }
0x5: {  	s8 =	simm.s32 $0x2;
	s11 =	simm.s32 $0x0;
	s3 =	sshll.u32 s1, $0x7  }
0x6: {  	s10 =	simm.s32 $0x0;
	s4 =	sadd.s32 $0xC00, s4;
	s6 =	ssub.s32 $0xC8000, s3  }
.Ltmp0:
0x7: {  	s1 =	rddreg [dreg:$0x2];
	s5 =	sand.u32 $0xF80, s6;
	(pc) =	sbr.rel .LBB1_1-.Ltmp0, $4  }
0x8: {  	_ =	strace $0x8000004A;
	s9 =	smov.u32 s3;
	p0 =	sne.s32 s5, $0x0  }
0x9: {  	s6 =	sshrl.u32 s6, $0xC;
	s5 =	simm.s32 $0x1;
	s7 =	simm.s32 @!p0 $0x0  }
0xa: {  	[sflag:s5] =	ssyncpa.u1 $0x0;
	p0 =	por $0x0, $0x0;
	s6 =	sadd.s32 s7, s6  }
0xb: {  	[sflag:s8] =	ssyncpa.u1 $0x0;
	s8 =	simm.s32 $0x640000;
	s7 =	sadd.s32 $0x1, s6  }
.LBB1_4:
0xc: {  	s14 =	sshll.u32 s11, $0x3  }
0xd: {  	s30 =	sand.u32 $0x7F, s11;
	s15 =	sand.u32 $0xFFFFFC00, s14  }
0xe: {  	s11 =	sor.u32 s30, s15  }
0xf: {  	s15 =	smulhi.u32 $0x51EB851F, s11  }
0x10: {  	s14 =	smulhi.u32 $0x51EB851F, s14  }
0x11: {  	s15 =	sshrl.u32 s15, $0x12  }
0x12: {  	s14 =	sshrl.u32 s14, $0x12;
	s15 =	smul.u32 $0xC8000, s15  }
0x13: {  	s14 =	sand.u32 $0x1F, s14  }
0x14: {  	s14 =	smul.u32 $0x19000, s14;
	s11 =	ssub.s32 s11, s15  }
0x15: {  	s15 =	sand.u32 $0x7, s11  }
0x16: {  	s14 =	sadd.s32 s2, s14;
	s11 =	sshrl.u32 s11, $0x3;
	s15 =	sshll.u32 s15, $0x12  }
0x17: {  	[tilespmem:s13+$0x0 ss:$0x81] =	vst.msk $0xffff, v0;
	s11 =	sadd.s32 s11, s14;
	s31 =	sor.u32 $0x400, s15  }
0x18: {  	[hbm4b:s11+s31] =	stream.strided.scatter [tilespmem:s12], [sflag:$0x2], $0x1000, s8, s31, $0x20;
	[tilespmem:$0x4040] =	vst v63  }
.LBB1_5:
0x19: {  	s13 =	sadd.s32 $0x1000, s9  }
0x1a: {  	p2 =	sgt.s32 s13, $0xC7FFF  }
0x1b: {  	s13 =	smov.u32 @p2 s3;
	p2 =	sne.s32 s10, s7  }
.Ltmp1:
0x1c: {  	p1 =	slt.u32 s10, $0x2;
	(pc) =	sbr.rel @!p2 .LBB1_6-.Ltmp1, $4  }
0x1d: {  	s12 =	simm.s32 @!p1 $0x2  }
0x1e: {  	s14 =	sadd.s32 $0x1, s10;
	_ =	swait.ge @!p1 [sflag:s12], $0x1000  }
0x1f: {  	s11 =	smov.u32 s9;
	p0 =	por !p0, !p0;
	[sflag:s12] =	ssyncset.done @!p1 $0x0  }
0x20: {  	s10 =	smov.u32 s14;
	s9 =	smov.u32 s13;
	[sflag:s12] =	ssyncadd.s32 @!p1 $0xFFFFF000  }
.LBB1_1:
0x21: {  	p1 =	sge.u32 s10, s6  }
0x22: {  	s12 =	sand.u32 @!p1 $0x1FFFFFF, s9  }
0x23: {  	s13 =	smulhi.u32 @!p1 $0x147AE15, s12;
	_ =	sdelay $0x1  }
0x24: {  	s13 =	sshrl.u32 @!p1 s13, $0xC  }
0x25: {  	s13 =	smul.u32 @!p1 $0xC8000, s13;
	_ =	sdelay $0x1  }
0x26: {  	s31 =	sadd.s32 $0xFFFFFFFF, s10;
	s14 =	sxor.u32 @!p1 $0xFFFFFFFF, s10;
	s12 =	ssub.s32 @!p1 s12, s13  }
0x27: {  	s15 =	simm.s32 @!p1 $0x80;
	s14 =	sshll.u32 @!p1 s14, $0xC;
	s12 =	sshll.u32 @!p1 s12, $0x4  }
0x28: {  	s13 =	sand.u32 @!p1 $0x1000, s14;
	s14 =	simm.s32 @!p1 $0x20;
	s12 =	sadd.s32 @!p1 s4, s12  }
0x29: {  	[tilespmem:s13], [sflag:$0x1] =	stream.strided.gather @!p1 [hbm4b:s12+s14], $0x1000, s15, s14, $0x38;
	[tilespmem:$0x4040] =	vst v63  }
0x2a: {  	p1 =	sge.u32 s31, s6  }
.Ltmp2:
0x2b: {  	_ = 	snop;
	(pc) =	sbr.rel @p1 .LBB1_5-.Ltmp2, $1  }
0x2c: {  	_ =	sdelay $0x3  }
0x2d: {  	s12 =	simm.s32 $0x1  }
0x2e: {  	_ =	swait.ge [sflag:s5], $0x1000;
	s12 =	simm.s32 @!p0 $0x0  }
0x2f: {  	[sflag:s5] =	ssyncset.done $0x0;
	s13 =	sshll.u32 s12, $0xC  }
0x30: {  	[sflag:s5] =	ssyncadd.s32 $0xFFFFF000;
	s16 =	sor.u32 $0x10, s13  }
0x31: {  	s12 =	smul.u32 $0x4080, s12;
	v1 =	vld [tilespmem:s16+$0x0]  }
0x32: {  	s30 =	sand.u32 $0x1, s10;
	v0 =	vld [tilespmem:s16+$0xFFFFFFF0]  }
0x33: {  	s13 =	smul.u32 $0x4080, s30;
	s12 =	sshrl.u32 s12, $0x2  }
0x34: {  	s14 =	sor.u32 $0x2000, s12  }
0x35: {  	s31 =	sshrl.u32 s13, $0x2;
	s13 =	sadd.s32 $0x0, s14  }
0x36: {  	s15 =	simm.s32 $0x4;
	s16 =	sadd.s32 $0x20, s16;
	s12 =	sor.u32 $0x2000, s31;
	[tilespmem:s13+$0x810 ss:$0x81] =	vst.msk $0xffff, v1  }
.LBB1_3:
0x37: {  	v1 =	vld [tilespmem:s16+$0x0];
	p1 =	sne.s32 s15, $0x1FC;
	[tilespmem:s13+$0x0 ss:$0x81] =	vst.msk $0xffff, v0;
	s13 =	smov.u32 s15;
	s15 =	sadd.s32 $0x4, s15  }
.Ltmp3:
0x38: {  	v0 =	vld [tilespmem:s16+$0xFFFFFFF0];
	(pc) =	sbr.rel @p1 .LBB1_3-.Ltmp3, $4  }
0x39: {  	_ = 	snop  }
0x3a: {  	s13 =	sshra.s32 s13, $0x2  }
0x3b: {  	s13 =	sadd.s32 s13, s14  }
0x3c: {  	s16 =	sadd.s32 $0x20, s16;
	[tilespmem:s13+$0x810 ss:$0x81] =	vst.msk $0xffff, v1  }
.Ltmp4:
0x3d: {  	_ = 	snop;
	(pc) =	sbr.rel .LBB1_4-.Ltmp4, $1  }
0x3e: {  	_ =	sdelay $0x3  }
.LBB1_6:
0x3f: {  	_ =	sfence.sel $0x180000  }
0x40: {  	s2 =	simm.s32 $0x1;
	[bflag:$0x0] =	sbarrier.arrive $0xFFFF  }
0x41: {  	s31 =	simm.s32 $0x2;
	[sflag:s2] =	ssyncpa.u1 $0x1  }
0x42: {  	[sflag:s31] =	ssyncpa.u1 $0x1  }
0x43: {  	p0 =	sne.s32 s0, $0x0;
	_ =	strace $0x9000004A  }
0x44: {  	s0 =	sadd.s32 @!p0 $0x100000, s1;
	[bflag:$0x2] =	sbarrier.arrive $0xFFFF  }
0x45: {  	[sflag:s0] =	ssyncadd.tile.s32 @!p0 $0x1;
	_ =	shalt  }
.Lfunc_end1:
_tile_overlayer_lowered:
.L_overlay_start_2:
0x46: {  	(tag) =	ssettag $0x2  }
0x47: {  	s0 =	rddreg [dreg:$0x0];
	s2 =	stileid.u32  }
0x48: {  	s1 =	rddreg [dreg:$0x1];
	p0 =	sne.s32 s2, $0x0  }
0x49: {  	s3 =	rddreg [dreg:$0x2];
	[bflag:$0x3] =	sbarrier.arrive $0xFFFF;
	s2 =	simm.s32 @!p0 $0x1C01  }
0x4a: {  	[timem:s3], [sflag:s2] =	dma.local @!p0 [hbm:s0], s1  }
0x4b: {  	s0 =	simm.s32 @!p0 $0x1  }
0x4c: {  	_ =	swait.ge @!p0 [sflag:s0], s1  }
0x4d: {  	s1 =	ssub.s32 @!p0 $0x0, s1;
	[sflag:s0] =	ssyncset.done @!p0 $0x0  }
0x4e: {  	[sflag:s0] =	ssyncadd.s32 @!p0 s1  }
0x4f: {  	[bflag:$0x3] =	sbarrier.arrive $0xFFFF  }
0x50: {  	_ =	shalt  }

// kernel: sparse-core-data-format-call.cloned.1.call-start
scs
called_computation_lowered:
.L_overlay_start_0:
0x0: {  	s2 =	sld [smem:$0x3FD9]  }
0x1: {  	s3 =	sld [smem:$0x3FFE];
	_ =	sdelay $0x1  }
0x2: {  	s1 =	srdreg.scid  }
0x3: {  	s0 =	sand.u32 $0x1, s1  }
0x4: {  	s18 =	sshll.u32 s0, $0xA;
	s2 =	sadd.s32 s3, s2  }
0x5: {  	s2 =	sadd.s32 s2, s18  }
0x6: {  	[smem:$0x3FC6] =	sst s2  }
0x7: {  	_ = 	snop  }
0x8: {  	s2 =	sld [smem:$0x3FD0];
	(tm) =	ssettm $0x1  }
0x9: {  	s19 =	sld [smem:$0x3FFB];
	_ =	sdelay $0x3  }
0xa: {  	_ =	strace s19  }
0xb: {  	s3 =	sld [smem:$0x3FFC];
	_ =	sdelay $0x3  }
0xc: {  	_ =	strace s3  }
0xd: {  	s3 =	sld [smem:$0x3FFD];
	_ =	sdelay $0x3  }
0xe: {  	_ =	strace s3  }
0xf: {  	_ =	strace $0x8FFFFFFF  }
0x10: {  	s20 =	sld [smem:$0x3FDB];
	_ =	sdelay $0x1  }
0x11: {  	s4 =	simm.s32 $_scs_section_size  }
0x12: {  	s5 =	simm.s32 $_size__tile_overlayer_lowered;
	s6 =	simm.s32 $_tile_overlayer_lowered  }
0x13: {  	s23 =	simm.s32 $0x1BFF;
	s22 =	sshll.u32 s6, $0x1;
	s3 =	sadd.s32 s4, s20  }
0x14: {  	s7 =	simm.s32 $0x0;
	s21 =	sshll.u32 s5, $0x1;
	s5 =	sadd.s32 s22, s3  }
0x15: {  	[timem:s7], [sflag:s23] =	dma.local [hbm:s5], s21  }
0x16: {  	_ =	swait.ge [sflag:s23], s21  }
0x17: {  	s4 =	ssub.s32 $0x0, s21;
	[sflag:s23] =	ssyncset.done $0x0  }
0x18: {  	[sflag:s23] =	ssyncadd.s32 s4;
	_ =	sdelay $0x1  }
0x19: {  	s24 =	simm.s32 $0x1B8B  }
0x1a: {  	_ =	swait.ge [sflag:s24], $0x1  }
0x1b: {  	[sflag:s24] =	ssyncset.done $0x0  }
0x1c: {  	s26 =	simm.s32 $0x1B8E;
	s25 =	sld [smem:$0x3FFE];
	[sflag:s24] =	ssyncadd.s32 $0xFFFFFFFF  }
0x1d: {  	s27 =	simm.s32 $execute0_lowered;
	[smem:$0x3FD2] =	sst s26  }
0x1e: {  	s5 =	sshll.u32 s27, $0x1;
	_ =	strace $0x8000004C;
	[dreg:$0x1] =	wrdreg $0xFFFFFFFF  }
0x1f: {  	s28 =	simm.s32 $_size_execute0_lowered;
	s3 =	sadd.s32 s3, s5;
	[dreg:$0x0] =	wrdreg $0x0  }
0x20: {  	s5 =	sshll.u32 s28, $0x1;
	[dreg:$0x2] =	wrdreg s3  }
0x21: {  	[dreg:$0x3] =	wrdreg s5  }
0x22: {  	[dreg:$0x4] =	wrdreg $0xC0  }
0x23: {  	_ =	task [dreg:s7], $0x5FFFF  }
0x24: {  	[dreg:$0x1] =	wrdreg $0xFFFFFFFF  }
0x25: {  	[dreg:$0x0] =	wrdreg $0x60  }
0x26: {  	[dreg:$0x2] =	wrdreg s25  }
0x27: {  	[dreg:$0x3] =	wrdreg s2  }
0x28: {  	[dreg:$0x4] =	wrdreg $0x9  }
0x29: {  	_ =	task.clear_ibuf [dreg:s7], $0x5FFFF;
	_ =	strace $0x9000004C  }
0x2a: {  	s29 =	simm.s32 $0x9;
	_ =	strace $0x8000004E  }
0x2b: {  	_ =	swait.ge [sflag:s29], $0x1  }
0x2c: {  	[sflag:s29] =	ssyncadd.s32 $0xFFFFFFFF  }
0x2d: {  	_ =	strace $0x9000004E  }
0x2e: {  	_ =	sfence  }
0x2f: {  	s30 =	sld [smem:$0x0];
	_ =	sdelay $0x2  }
0x30: {  	s31 =	sshll.u32 s1, $0xD;
	s1 =	sshrl.u32 s1, $0x2  }
0x31: {  	s3 =	sand.u32 $0x4000, s31;
	s1 =	sadd.s32 s1, s30  }
0x32: {  	s0 =	sor.u32 s3, s0;
	s1 =	sshll.u32 s1, $0x11  }
0x33: {  	s0 =	sor.u32 s1, s0  }
0x34: {  	s0 =	sadd.s32 $0x8F2B, s0  }
0x35: {  	[sflag:s0] =	ssyncadd.remote.s32 $0x1  }
0x36: {  	_ =	sfence.sel $0xFFFF  }
0x37: {  	[dreg:$0x0] =	wrdreg $0xFFFFFFFF;
	(pc) =	sbr.abs _section_cstart, $3  }
0x38: {  	[dreg:$0x1] =	wrdreg $0xFFFFFFFF  }
0x39: {  	_ =	task.clear_ibuf [dreg:s7], $0x2FFFF;
	_ =	strace $0x9FFFFFFF  }
0x3a: {  	(tm) =	ssettm $0x7FFFFFFF  }
0x3b: {  	_ =	shalt  }
tec
execute0_lowered:
.L_overlay_start_1:
0x0: {  	(tag) =	ssettag $0x1  }
0x1: {  	s8 =	rddreg [dreg:$0x0]  }
0x2: {  	s2 =	rddreg [dreg:$0x1];
	s1 =	stileid.u32  }
0x3: {  	s4 =	srdreg.scid;
	s0 =	rddreg [dreg:$0x2];
	_ =	strace $0x8000004D  }
0x4: {  	s9 =	simm.s32 $0x1;
	s31 =	simm.s32 $0x2;
	s16 =	simm.s32 $0x0  }
0x5: {  	s17 =	simm.s32 $0x0;
	s11 =	simm.s32 $0x0;
	s12 =	simm.s32 $0x0  }
0x6: {  	s15 =	simm.s32 $0x0;
	s3 =	sshll.u32 s1, $0x1;
	s4 =	sshll.u32 s4, $0x7  }
0x7: {  	s4 =	sand.u32 $0x80, s4;
	s5 =	ssub.s32 $0x20, s3;
	s14 =	smov.u32 s3  }
0x8: {  	s6 =	sshrl.u32 s5, $0x5;
	s5 =	sand.u32 $0x1E, s5;
	s7 =	ssub.s32 $0x4000, s4  }
0x9: {  	p0 =	sne.s32 s5, $0x0;
	s30 =	sshrl.u32 s7, $0x7;
	s7 =	sshrl.u32 s7, $0x8  }
.Ltmp0:
0xa: {  	s9 =	simm.s32 @!p0 $0x0;
	s10 =	sand.u32 $0x1, s30;
	(pc) =	sbr.rel .LBB1_1-.Ltmp0, $4  }
0xb: {  	s5 =	simm.s32 $0x1;
	s6 =	sadd.s32 s9, s6;
	s7 =	sadd.s32 s7, s10  }
0xc: {  	s13 =	smov.u32 s4;
	[sflag:s5] =	ssyncpa.u1 $0x0;
	s6 =	smul.u32 s6, s7  }
0xd: {  	p0 =	por $0x0, $0x0;
	[sflag:s31] =	ssyncpa.u1 $0x0;
	s10 =	simm.s32 $0x80000  }
0xe: {  	s7 =	sadd.s32 $0xC00, s8;
	s8 =	sadd.s32 $0x40C00, s8;
	s9 =	sadd.s32 $0x1, s6  }
.LBB1_7:
0xf: {  	p1 =	slt.u32 s15, $0x2  }
0x10: {  	s19 =	smov.u32 s17;
	p2 =	sgt.s32 @!p1 s17, $0x1E;
	s18 =	sshra.s32 @!p1 s17, $0x1F  }
0x11: {  	p3 =	sgt.s32 @!p1 s16, $0x3F80;
	s20 =	sshra.s32 @!p1 s16, $0x1F;
	p2 =	por !p2, p1  }
0x12: {  	s17 =	sand.u32 @!p1 s18, s17;
	p3 =	por !p3, p1;
	s18 =	smov.u32 s16  }
0x13: {  	s16 =	sand.u32 @!p1 s20, s16;
	s19 =	simm.s32 @p2 $0x1E;
	s18 =	simm.s32 @p3 $0x3F80  }
0x14: {  	s20 =	smov.u32 s14;
	s17 =	ssub.s32 @!p1 s19, s17;
	s16 =	ssub.s32 @!p1 s18, s16  }
0x15: {  	s18 =	sadd.s32 @!p1 $0xFFFFFFE2, s17;
	s17 =	ssub.s32 @!p1 $0x20, s17;
	s19 =	sadd.s32 @!p1 $0xFFFFC080, s16  }
0x16: {  	p2 =	sgt.s32 @!p1 s18, $0x1;
	s17 =	smul.u32 @!p1 $0x32, s17;
	p3 =	sgt.s32 @!p1 s19, $0x7F  }
0x17: {  	s16 =	ssub.s32 @!p1 $0x4000, s16;
	p2 =	por !p2, p1;
	p3 =	por !p3, p1  }
0x18: {  	s18 =	sadd.s32 $0x100, s13;
	s17 =	simm.s32 @!p2 $0x0;
	s16 =	simm.s32 @!p3 $0x0  }
0x19: {  	p2 =	sgt.s32 s18, $0x3FFF;
	s16 =	smul.u32 @!p1 s16, s17;
	s17 =	sadd.s32 $0x20, s14  }
0x1a: {  	s20 =	smov.u32 @p2 s17  }
0x1b: {  	s18 =	smov.u32 @p2 s4;
	p2 =	sgt.s32 s20, $0x1F  }
0x1c: {  	s20 =	smov.u32 @p2 s3;
	p2 =	sne.s32 s15, s9  }
.Ltmp1:
0x1d: {  	p0 =	por !p0, !p0;
	s19 =	simm.s32 @!p1 $0x2;
	(pc) =	sbr.rel @!p2 .LBB1_8-.Ltmp1, $4  }
0x1e: {  	s17 =	smov.u32 s12;
	s12 =	smov.u32 s14;
	s16 =	sand.u32 @!p1 $0x3FFFFFFE, s16  }
0x1f: {  	_ =	swait.ge @!p1 [sflag:s19], s16;
	s21 =	ssub.s32 @!p1 $0x0, s16;
	s16 =	smov.u32 s11  }
0x20: {  	s15 =	sadd.s32 $0x1, s15;
	s11 =	smov.u32 s13;
	[sflag:s19] =	ssyncset.done @!p1 $0x0  }
0x21: {  	s13 =	smov.u32 s18;
	s14 =	smov.u32 s20;
	[sflag:s19] =	ssyncadd.s32 @!p1 s21  }
.LBB1_1:
0x22: {  	p1 =	sge.u32 s15, s6  }
0x23: {  	s18 =	sxor.u32 @!p1 $0xFFFFFFFF, s15;
	s19 =	sshll.u32 @!p1 s14, $0x12  }
0x24: {  	s20 =	sshll.u32 @!p1 s13, $0x4;
	s22 =	simm.s32 @!p1 $0x40;
	s23 =	simm.s32 @!p1 $0x80  }
0x25: {  	s18 =	sshll.u32 @!p1 s18, $0xE;
	s20 =	sand.u32 @!p1 $0x3FFF0, s20;
	s21 =	sadd.s32 @!p1 s7, s19  }
0x26: {  	s19 =	sadd.s32 @!p1 s19, s8;
	s18 =	sand.u32 @!p1 $0x4000, s18;
	s21 =	sadd.s32 @!p1 s20, s21  }
0x27: {  	[tilespmem:s18], [sflag:$0x1] =	stream.strided.gather @!p1 [hbm4b:s21+s22], $0x2000, s23, s22, $0x38;
	[tilespmem:$0x10100] =	vst v63  }
0x28: {  	s31 =	sadd.s32 $0xFFFFFFFF, s15;
	s19 =	sadd.s32 @!p1 s20, s19;
	s18 =	sor.u32 @!p1 $0x2000, s18  }
0x29: {  	[tilespmem:s18], [sflag:$0x1] =	stream.strided.gather @!p1 [hbm4b:s19+s22], $0x2000, s23, s22, $0x38;
	[tilespmem:$0x10100] =	vst v63  }
0x2a: {  	p1 =	sge.u32 s31, s6  }
.Ltmp2:
0x2b: {  	_ = 	snop;
	(pc) =	sbr.rel @p1 .LBB1_7-.Ltmp2, $1  }
0x2c: {  	_ =	sdelay $0x3  }
0x2d: {  	s18 =	simm.s32 $0x1;
	s20 =	sand.u32 $0x1, s15  }
0x2e: {  	_ =	swait.ge [sflag:s5], $0x4000;
	s18 =	simm.s32 @!p0 $0x0;
	s20 =	smul.u32 $0x10200, s20  }
0x2f: {  	p2 =	por $0x1, $0x1;
	[sflag:s5] =	ssyncset.done $0x0;
	s19 =	smul.u32 $0x10200, s18  }
0x30: {  	s21 =	sshll.u32 s18, $0x10;
	[sflag:s5] =	ssyncadd.s32 $0xFFFFC000;
	s30 =	sshrl.u32 s20, $0x2  }
0x31: {  	s31 =	sshrl.u32 s21, $0x2;
	s21 =	simm.s32 $0x0;
	s19 =	sshrl.u32 s19, $0x2  }
0x32: {  	s18 =	sor.u32 $0x8000, s30;
	s20 =	sadd.s32 $0x20, s31;
	s19 =	sor.u32 $0x8000, s19  }
.LBB1_3:
0x33: {  	s22 =	sshll.u32 s21, $0xD  }
0x34: {  	s22 =	sand.u32 $0x3FFFE000, s22  }
0x35: {  	s24 =	sadd.s32 s22, s20  }
0x36: {  	s31 =	smul.u32 $0x204, s21;
	v3 =	vld [tilespmem:s24+$0x10]  }
0x37: {  	v1 =	vld [tilespmem:s24+$0xFFFFFFF0]  }
0x38: {  	s21 =	sshra.s32 s31, $0x2;
	v0 =	vld [tilespmem:s24+$0x0]  }
0x39: {  	s21 =	sadd.s32 s21, s19;
	v2 =	vld [tilespmem:s24+$0xFFFFFFE0]  }
0x3a: {  	s22 =	sadd.s32 $0x0, s21  }
0x3b: {  	p1 =	por p2, p2;
	s23 =	simm.s32 $0x4;
	s24 =	sadd.s32 $0x40, s24;
	[tilespmem:s22+$0x3060 ss:$0x102] =	vst.msk $0xffff, v3  }
.LBB1_4:
0x3c: {  	v3 =	vld [tilespmem:s24+$0x10];
	p2 =	sne.s32 s23, $0x1FC;
	[tilespmem:s22+$0x1020 ss:$0x102] =	vst.msk $0xffff, v1;
	s25 =	smov.u32 s23;
	s23 =	sadd.s32 $0x4, s23  }
.Ltmp3:
0x3d: {  	v1 =	vld [tilespmem:s24+$0xFFFFFFF0];
	[tilespmem:s22+$0x2040 ss:$0x102] =	vst.msk $0xffff, v0;
	(pc) =	sbr.rel @p2 .LBB1_4-.Ltmp3, $4  }
0x3e: {  	v0 =	vld [tilespmem:s24+$0x0];
	[tilespmem:s22+$0x0 ss:$0x102] =	vst.msk $0xffff, v2  }
0x3f: {  	s22 =	sshra.s32 s25, $0x2;
	v2 =	vld [tilespmem:s24+$0xFFFFFFE0]  }
0x40: {  	s22 =	sadd.s32 s22, s21  }
0x41: {  	s24 =	sadd.s32 $0x40, s24;
	[tilespmem:s22+$0x3060 ss:$0x102] =	vst.msk $0xffff, v3  }
.Ltmp4:
0x42: {  	(pc) =	sbr.rel @p1 .LBB1_3-.Ltmp4, $4  }
0x43: {  	_ = 	snop  }
0x44: {  	[tilespmem:s22+$0x1020 ss:$0x102] =	vst.msk $0xffff, v1  }
0x45: {  	[tilespmem:s22+$0x2040 ss:$0x102] =	vst.msk $0xffff, v0  }
0x46: {  	s21 =	simm.s32 $0x1;
	p2 =	por $0x0, $0x0;
	[tilespmem:s22+$0x0 ss:$0x102] =	vst.msk $0xffff, v2  }
0x47: {  	s19 =	sand.u32 $0x78, s11;
	p1 =	sgt.s32 s12, $0x1E;
	s20 =	smov.u32 s12  }
0x48: {  	s21 =	sshra.s32 s12, $0x1F;
	s22 =	sshll.u32 s12, $0xE;
	s23 =	sshll.u32 s11, $0x3  }
0x49: {  	s30 =	sshra.s32 s11, $0x1F;
	s25 =	sshll.u32 s12, $0x7;
	s20 =	simm.s32 @!p1 $0x1E  }
0x4a: {  	s21 =	sand.u32 s21, s12;
	s22 =	sand.u32 $0x60000, s22;
	p1 =	sgt.s32 s11, $0x3F80  }
0x4b: {  	s25 =	sand.u32 $0x380, s25;
	s20 =	ssub.s32 s20, s21;
	s21 =	smov.u32 s11  }
0x4c: {  	s22 =	sadd.s32 s22, s23;
	s24 =	sadd.s32 $0xFFFFFFE2, s20;
	s21 =	simm.s32 @!p1 $0x3F80  }
0x4d: {  	s20 =	ssub.s32 $0x20, s20;
	p1 =	sgt.s32 s24, $0x1;
	s24 =	sand.u32 s30, s11  }
0x4e: {  	s23 =	sand.u32 $0x3C00, s23;
	s20 =	smul.u32 $0x32, s20;
	s21 =	ssub.s32 s21, s24  }
0x4f: {  	s19 =	sor.u32 s25, s19;
	s22 =	sand.u32 $0x7C000, s22;
	s24 =	sadd.s32 $0xFFFFC080, s21  }
0x50: {  	s20 =	simm.s32 @p1 $0x0;
	s21 =	ssub.s32 $0x4000, s21;
	p1 =	sgt.s32 s24, $0x7F  }
.Ltmp5:
0x51: {  	s19 =	sor.u32 s23, s19;
	s21 =	simm.s32 @p1 $0x0;
	(pc) =	sbr.rel .LBB1_7-.Ltmp5, $4  }
0x52: {  	s31 =	sand.u32 $0x7, s11;
	s19 =	sor.u32 s22, s19;
	s20 =	smul.u32 s21, s20  }
0x53: {  	s19 =	sshrl.u32 s19, $0x3;
	s21 =	sshll.u32 s31, $0x12  }
0x54: {  	s19 =	sadd.s32 s2, s19;
	s21 =	sor.u32 $0x100, s21;
	s20 =	sand.u32 $0x3FFFFFFE, s20  }
0x55: {  	[hbm4b:s19+s21] =	stream.strided.scatter [tilespmem:s18], [sflag:$0x2], s20, s10, s21, $0x20;
	[tilespmem:$0x10100] =	vst v63  }
.LBB1_8:
0x56: {  	_ =	sfence.sel $0x180000  }
0x57: {  	s2 =	simm.s32 $0x1;
	[bflag:$0x0] =	sbarrier.arrive $0xFFFF  }
0x58: {  	s31 =	simm.s32 $0x2;
	[sflag:s2] =	ssyncpa.u1 $0x1  }
0x59: {  	[sflag:s31] =	ssyncpa.u1 $0x1  }
0x5a: {  	p0 =	sne.s32 s1, $0x0;
	_ =	strace $0x9000004D  }
0x5b: {  	s0 =	sadd.s32 @!p0 $0x100000, s0;
	[bflag:$0x2] =	sbarrier.arrive $0xFFFF  }
0x5c: {  	[sflag:s0] =	ssyncadd.tile.s32 @!p0 $0x1;
	_ =	shalt  }
.Lfunc_end1:
_tile_overlayer_lowered:
.L_overlay_start_2:
0x5d: {  	(tag) =	ssettag $0x2  }
0x5e: {  	s0 =	rddreg [dreg:$0x0];
	s2 =	stileid.u32  }
0x5f: {  	s1 =	rddreg [dreg:$0x1];
	p0 =	sne.s32 s2, $0x0  }
0x60: {  	s3 =	rddreg [dreg:$0x2];
	[bflag:$0x3] =	sbarrier.arrive $0xFFFF;
	s2 =	simm.s32 @!p0 $0x1C01  }
0x61: {  	[timem:s3], [sflag:s2] =	dma.local @!p0 [hbm:s0], s1  }
0x62: {  	s0 =	simm.s32 @!p0 $0x1  }
0x63: {  	_ =	swait.ge @!p0 [sflag:s0], s1  }
0x64: {  	s1 =	ssub.s32 @!p0 $0x0, s1;
	[sflag:s0] =	ssyncset.done @!p0 $0x0  }
0x65: {  	[sflag:s0] =	ssyncadd.s32 @!p0 s1  }
0x66: {  	[bflag:$0x3] =	sbarrier.arrive $0xFFFF  }
0x67: {  	_ =	shalt  }

</sc_bundles>
